<compile_context>
chip_gen: v7x
topology: tpu7x:2x2x1
jax: 0.10.2.dev20260603
libtpu: 0.0.44.dev20260713+nightly
codegen_flags: <defaults>
</compile_context>

<pallas_src>
import functools

import jax
import jax.numpy as jnp
from jax import lax
from jax.experimental import pallas as pl
from jax.experimental.pallas import tpu as pltpu
from jax.experimental.pallas import tpu_sc as plsc

D_MODEL = 64
B_SETS = 1024
S_LEN = 200
GAMMA = 1.0
BETA = 0.0

N_TOTAL = B_SETS * S_LEN
NUM_CORES = 2
NUM_SUBCORES = 16
NW = NUM_CORES * NUM_SUBCORES
BW = B_SETS // NW
SCH = 4
NCH = S_LEN // SCH
LANES = 16


@functools.partial(
    pl.kernel,
    mesh=plsc.VectorSubcoreMesh(core_axis_name="c", subcore_axis_name="s"),
    out_type=jax.ShapeDtypeStruct(
        (S_LEN, D_MODEL // 8, B_SETS // 128, 8, 128), jnp.float32),
    scratch_types=[
        pltpu.VMEM((NCH, 4 * BW), jnp.int32),
        pltpu.VMEM((2, SCH * BW, D_MODEL), jnp.float32),
        pltpu.VMEM((2, SCH, D_MODEL // 8, 8, BW + 1), jnp.float32),
        pltpu.SemaphoreType.DMA,
        pltpu.SemaphoreType.DMA,
    ],
    compiler_params=pltpu.CompilerParams(
        use_tc_tiling_on_sc=False, needs_layout_passes=False),
)
def _sc_gather(idx_hbm, table_hbm, out_hbm, idx_v, gbuf, tbuf, gsem0, gsem1):
    wid = lax.axis_index("s") * NUM_CORES + lax.axis_index("c")
    pltpu.sync_copy(idx_hbm.at[wid], idx_v)
    jb = wid // 4
    l0 = (wid % 4) * BW
    sems = (gsem0, gsem1)
    lane = lax.iota(jnp.int32, LANES)
    dl = [[(c * LANES + lane) // 8, (c * LANES + lane) % 8]
          for c in range(D_MODEL // LANES)]

    def issue(k, p):
        pltpu.async_copy(table_hbm.at[idx_v.at[k]], gbuf.at[p], sems[p])

    def drain(p):
        pltpu.make_async_copy(
            table_hbm.at[idx_v.at[0]], gbuf.at[p], sems[p]).wait()

    def store(k, p):
        pltpu.sync_copy(
            tbuf.at[p, :, :, :, pl.ds(0, BW)],
            out_hbm.at[pl.ds(SCH * k, SCH), :, jb, :, pl.ds(l0, BW)])

    def transpose(p):
        g = gbuf.at[p]

        @plsc.parallel_loop(0, SCH * BW, unroll=4)
        def rloop(r):
            s_l = r // BW
            b_l = jnp.full((LANES,), 0, jnp.int32) + (r % BW)
            t = tbuf.at[p, s_l]
            vs = [g[r, pl.ds(c * LANES, LANES)] for c in range(D_MODEL // LANES)]
            for c in range(D_MODEL // LANES):
                plsc.store_scatter(t, [dl[c][0], dl[c][1], b_l], vs[c])

    def step(k, p, kk):
        drain(p)
        transpose(p)

        @pl.when(kk < NCH // 2 - 1)
        def _():
            issue(k + 2, p)

        store(k, p)

    issue(0, 0)
    issue(1, 1)

    def body(kk, carry):
        step(2 * kk, 0, kk)
        step(2 * kk + 1, 1, kk)
        return carry

    lax.fori_loop(0, NCH // 2, body, 0)


_BI = 8
_BL = 1024


def _bias_body(pi_ref, pall_ref, out_ref):
    pi = pi_ref[...][:, None, :]
    pall = pall_ref[...][None, :, :]
    neg_abs = (jnp.minimum(pi, pall) - jnp.maximum(pi, pall)).astype(jnp.float32)
    if GAMMA == 1.0 and BETA == 0.0:
        out_ref[...] = neg_abs
    else:
        out_ref[...] = GAMMA * neg_abs + BETA


_bias_t = pl.pallas_call(
    _bias_body,
    grid=(S_LEN // _BI, B_SETS // _BL),
    in_specs=[
        pl.BlockSpec((_BI, _BL), lambda i, b: (i, b)),
        pl.BlockSpec((S_LEN, _BL), lambda i, b: (0, b)),
    ],
    out_specs=pl.BlockSpec((_BI, S_LEN, _BL), lambda i, b: (i, 0, b)),
    out_shape=jax.ShapeDtypeStruct((S_LEN, S_LEN, B_SETS), jnp.float32),
)


def kernel(set_positions, router_emb):
    pos = set_positions.astype(jnp.int32)
    idx3d = (pos.reshape(NW, BW, NCH, SCH)
             .transpose(0, 2, 3, 1)
             .reshape(NW, NCH, SCH * BW)) * 2
    table2 = jnp.pad(router_emb, ((0, 0), (0, D_MODEL))).reshape(-1, D_MODEL)
    lin5 = _sc_gather(idx3d, table2)
    desc_router = jnp.transpose(lin5, (2, 4, 0, 1, 3)).reshape(
        B_SETS, S_LEN, D_MODEL)
    pos_t = pos.T
    geom_bias = jnp.transpose(_bias_t(pos_t, pos_t), (2, 0, 1))
    return (desc_router, geom_bias)

# --- scband reference (transcript-rebuilt; emitter-appended) ---
"""Pipeline reference for scband-geometry-only-feature-builder-90847148245153 (READ-ONLY COPY).

The authoritative reference and input builder live on the scoring server;
editing this copy changes nothing except your own understanding.
"""

import jax, jax.numpy as jnp
import numpy as np

D_MODEL = 64
MAX_SETS = 100000
GAMMA = 1.0
BETA = 0.0
B = 1024
S = 200


def delta_indices(set_positions):
    # pairwise position deltas: [B, S, S]
    return set_positions[..., :, None] - set_positions[..., None, :]


def geom_bias_from_delta(delta, gamma=1.0, beta=0.0):
    # geometry-derived attention bias: decays with |delta|
    return -gamma * jnp.abs(delta).astype(jnp.float32) + beta


def setup_inputs(seed: int = 0) -> dict:
    key = jax.random.key(seed)
    k1, k2 = jax.random.split(key)
    set_positions = jax.random.randint(k1, (B, S), 0, MAX_SETS, dtype=jnp.int64 if jax.config.jax_enable_x64 else jnp.int32)
    router_emb = jax.random.normal(k2, (MAX_SETS, D_MODEL), dtype=jnp.float32) * 0.02
    return {"set_positions": set_positions, "router_emb": router_emb}


def reference(set_positions, router_emb):
    delta = delta_indices(set_positions)
    geom_bias = geom_bias_from_delta(delta, gamma=GAMMA, beta=BETA)
    desc_router = jnp.take(router_emb, set_positions, axis=0)
    # SetFeatures(phi_attn=None, desc_router=..., geom_bias=...)
    return (desc_router, geom_bias)

if __name__ == "__main__":
    import jax
    _d = setup_inputs()
    print(jax.jit(kernel)(*tuple(_d.values())))

</pallas_src>

<mosaic_0001>
#map = affine_map<(d0, d1) -> (0, 0, 0)>
#map1 = affine_map<(d0, d1) -> (0, 0)>
#map2 = affine_map<(d0, d1) -> (0, 0, 0, 0, 0)>
module attributes {stable_mosaic.version = 14 : i64} {
  func.func @_sc_gather(%arg0: i32, %arg1: i32, %arg2: memref<32x50x128xi32, #tpu.memory_space<hbm>>, %arg3: memref<200000x64xf32, #tpu.memory_space<hbm>>, %arg4: memref<200x8x8x8x128xf32, #tpu.memory_space<hbm>>, %arg5: memref<50x128xi32, #tpu.memory_space<vmem>>, %arg6: memref<2x128x64xf32, #tpu.memory_space<vmem>>, %arg7: memref<2x4x8x8x33xf32, #tpu.memory_space<vmem>>, %arg8: memref<!tpu.dma_semaphore, #tpu.memory_space<semaphore_mem>>, %arg9: memref<!tpu.dma_semaphore, #tpu.memory_space<semaphore_mem>>) attributes {dimension_semantics = [#tpu.dimension_semantics<core_parallel>, #tpu.dimension_semantics<subcore_parallel>], iteration_bounds = array<i64: 2, 16>, scalar_prefetch = 0 : i64, scratch_operands = 5 : i64, tpu.core_type = #tpu.core_type<sc_vector_subcore>, window_params = [{transform_indices = #map}, {transform_indices = #map1}, {transform_indices = #map2}]} {
    %mul3A = arith.constant 2 : i32
    %mul3A_0 = arith.muli %arg1, %mul3A : i32
    %add3A = arith.addi %mul3A_0, %arg0 : i32
    "tpu.region"() ({
      %run_scoped3A = tpu.sem_alloc : memref<!tpu.dma_semaphore, #tpu.memory_space<semaphore_mem>>
      %dma_start3A_297 = arith.constant 0 : i32
      %dma_start3A_298 = arith.constant 0 : i32
      %dma_start3A_299 = tpu.memref_slice %arg2[%add3A, %dma_start3A_297, %dma_start3A_298] : memref<32x50x128xi32, #tpu.memory_space<hbm>> -> memref<1x50x128xi32, #tpu.memory_space<hbm>>
      %dma_start3A_300 = tpu.memref_squeeze %dma_start3A_299 : memref<1x50x128xi32, #tpu.memory_space<hbm>> -> memref<50x128xi32, #tpu.memory_space<hbm>>
      %dma_start3A_301 = arith.constant 0 : i32
      %dma_start3A_302 = arith.constant 0 : i32
      %dma_start3A_303 = tpu.memref_slice %arg2[%add3A, %dma_start3A_301, %dma_start3A_302] : memref<32x50x128xi32, #tpu.memory_space<hbm>> -> memref<1x50x128xi32, #tpu.memory_space<hbm>>
      %dma_start3A_304 = tpu.memref_squeeze %dma_start3A_303 : memref<1x50x128xi32, #tpu.memory_space<hbm>> -> memref<50x128xi32, #tpu.memory_space<hbm>>
      tpu.enqueue_dma source(%dma_start3A_304 : memref<50x128xi32, #tpu.memory_space<hbm>>) target(%arg5 : memref<50x128xi32, #tpu.memory_space<vmem>>) target_semaphore(%run_scoped3A : memref<!tpu.dma_semaphore, #tpu.memory_space<semaphore_mem>>)
      %dma_wait3A = arith.constant 0 : i32
      %dma_wait3A_305 = arith.constant 0 : i32
      %dma_wait3A_306 = tpu.memref_slice %arg2[%add3A, %dma_wait3A, %dma_wait3A_305] : memref<32x50x128xi32, #tpu.memory_space<hbm>> -> memref<1x50x128xi32, #tpu.memory_space<hbm>>
      %dma_wait3A_307 = tpu.memref_squeeze %dma_wait3A_306 : memref<1x50x128xi32, #tpu.memory_space<hbm>> -> memref<50x128xi32, #tpu.memory_space<hbm>>
      %dma_wait3A_308 = arith.constant 0 : i32
      %dma_wait3A_309 = arith.constant 0 : i32
      %dma_wait3A_310 = tpu.memref_slice %arg2[%add3A, %dma_wait3A_308, %dma_wait3A_309] : memref<32x50x128xi32, #tpu.memory_space<hbm>> -> memref<1x50x128xi32, #tpu.memory_space<hbm>>
      %dma_wait3A_311 = tpu.memref_squeeze %dma_wait3A_310 : memref<1x50x128xi32, #tpu.memory_space<hbm>> -> memref<50x128xi32, #tpu.memory_space<hbm>>
      tpu.wait_dma2 semaphore(%run_scoped3A : memref<!tpu.dma_semaphore, #tpu.memory_space<semaphore_mem>>) src(%dma_wait3A_311 : memref<50x128xi32, #tpu.memory_space<hbm>>) dst(%arg5 : memref<50x128xi32, #tpu.memory_space<vmem>>)
      tpu.yield
    }) : () -> ()
    %jit3A = arith.constant 4 : i32
    %div3A = arith.divsi %add3A, %jit3A : i32
    %sign3A = arith.constant 0 : i32
    %sign3A_1 = arith.cmpi sgt, %add3A, %sign3A : i32
    %sign3A_2 = arith.extui %sign3A_1 : i1 to i32
    %sign3A_3 = arith.constant 0 : i32
    %sign3A_4 = arith.cmpi slt, %add3A, %sign3A_3 : i32
    %sign3A_5 = arith.extui %sign3A_4 : i1 to i32
    %sign3A_6 = arith.subi %sign3A_2, %sign3A_5 : i32
    %sign3A_7 = arith.constant 0 : i32
    %sign3A_8 = arith.cmpi sgt, %jit3A, %sign3A_7 : i32
    %sign3A_9 = arith.extui %sign3A_8 : i1 to i32
    %sign3A_10 = arith.constant 0 : i32
    %sign3A_11 = arith.cmpi slt, %jit3A, %sign3A_10 : i32
    %sign3A_12 = arith.extui %sign3A_11 : i1 to i32
    %sign3A_13 = arith.subi %sign3A_9, %sign3A_12 : i32
    %ne3A = arith.cmpi ne, %sign3A_6, %sign3A_13 : i32
    %rem3A = arith.remsi %add3A, %jit3A : i32
    %ne3A_14 = arith.constant 0 : i32
    %ne3A_15 = arith.cmpi ne, %rem3A, %ne3A_14 : i32
    %and3A = arith.andi %ne3A, %ne3A_15 : i1
    %sub3A = arith.constant 1 : i32
    %sub3A_16 = arith.subi %div3A, %sub3A : i32
    %select_n3A = arith.select %and3A, %sub3A_16, %div3A : i32
    %jit3A_17 = arith.constant 4 : i32
    %eq3A = arith.constant 0 : i32
    %eq3A_18 = arith.cmpi eq, %jit3A_17, %eq3A : i32
    %jit3A_19 = arith.constant 1 : i32
    %select_n3A_20 = arith.select %eq3A_18, %jit3A_19, %jit3A_17 : i32
    %rem3A_21 = arith.remsi %add3A, %select_n3A_20 : i32
    %ne3A_22 = arith.constant 0 : i32
    %ne3A_23 = arith.cmpi ne, %rem3A_21, %ne3A_22 : i32
    %lt3A = arith.constant 0 : i32
    %lt3A_24 = arith.cmpi slt, %rem3A_21, %lt3A : i32
    %lt3A_25 = arith.constant 0 : i32
    %lt3A_26 = arith.cmpi slt, %select_n3A_20, %lt3A_25 : i32
    %ne3A_27 = arith.xori %lt3A_24, %lt3A_26 : i1
    %and3A_28 = arith.andi %ne3A_27, %ne3A_23 : i1
    %add3A_29 = arith.addi %rem3A_21, %select_n3A_20 : i32
    %select_n3A_30 = arith.select %and3A_28, %add3A_29, %rem3A_21 : i32
    %mul3A_31 = arith.constant 32 : i32
    %mul3A_32 = arith.muli %select_n3A_30, %mul3A_31 : i32
    %iota3A = tpu.iota {dimensions = array<i32: 0>} : vector<16xi32>
    %add3A_33 = arith.constant 0 : i32
    %add3A_34 = vector.broadcast %add3A_33 : i32 to vector<16xi32>
    %add3A_35 = arith.addi %add3A_34, %iota3A : vector<16xi32>
    %jit3A_36 = arith.constant 8 : i32
    %div3A_37 = vector.broadcast %jit3A_36 : i32 to vector<16xi32>
    %div3A_38 = arith.divsi %add3A_35, %div3A_37 : vector<16xi32>
    %sign3A_39 = arith.constant 0 : i32
    %sign3A_40 = vector.broadcast %sign3A_39 : i32 to vector<16xi32>
    %sign3A_41 = arith.cmpi sgt, %add3A_35, %sign3A_40 : vector<16xi32>
    %sign3A_42 = arith.extui %sign3A_41 : vector<16xi1> to vector<16xi32>
    %sign3A_43 = arith.constant 0 : i32
    %sign3A_44 = vector.broadcast %sign3A_43 : i32 to vector<16xi32>
    %sign3A_45 = arith.cmpi slt, %add3A_35, %sign3A_44 : vector<16xi32>
    %sign3A_46 = arith.extui %sign3A_45 : vector<16xi1> to vector<16xi32>
    %sign3A_47 = arith.subi %sign3A_42, %sign3A_46 : vector<16xi32>
    %sign3A_48 = arith.constant 0 : i32
    %sign3A_49 = arith.cmpi sgt, %jit3A_36, %sign3A_48 : i32
    %sign3A_50 = arith.extui %sign3A_49 : i1 to i32
    %sign3A_51 = arith.constant 0 : i32
    %sign3A_52 = arith.cmpi slt, %jit3A_36, %sign3A_51 : i32
    %sign3A_53 = arith.extui %sign3A_52 : i1 to i32
    %sign3A_54 = arith.subi %sign3A_50, %sign3A_53 : i32
    %ne3A_55 = vector.broadcast %sign3A_54 : i32 to vector<16xi32>
    %ne3A_56 = arith.cmpi ne, %sign3A_47, %ne3A_55 : vector<16xi32>
    %rem3A_57 = vector.broadcast %jit3A_36 : i32 to vector<16xi32>
    %rem3A_58 = arith.remsi %add3A_35, %rem3A_57 : vector<16xi32>
    %ne3A_59 = arith.constant 0 : i32
    %ne3A_60 = vector.broadcast %ne3A_59 : i32 to vector<16xi32>
    %ne3A_61 = arith.cmpi ne, %rem3A_58, %ne3A_60 : vector<16xi32>
    %and3A_62 = arith.andi %ne3A_56, %ne3A_61 : vector<16xi1>
    %sub3A_63 = arith.constant 1 : i32
    %sub3A_64 = vector.broadcast %sub3A_63 : i32 to vector<16xi32>
    %sub3A_65 = arith.subi %div3A_38, %sub3A_64 : vector<16xi32>
    %select_n3A_66 = arith.select %and3A_62, %sub3A_65, %div3A_38 : vector<16xi1>, vector<16xi32>
    %add3A_67 = arith.constant 0 : i32
    %add3A_68 = vector.broadcast %add3A_67 : i32 to vector<16xi32>
    %add3A_69 = arith.addi %add3A_68, %iota3A : vector<16xi32>
    %jit3A_70 = arith.constant 8 : i32
    %eq3A_71 = arith.constant 0 : i32
    %eq3A_72 = arith.cmpi eq, %jit3A_70, %eq3A_71 : i32
    %jit3A_73 = arith.constant 1 : i32
    %select_n3A_74 = arith.select %eq3A_72, %jit3A_73, %jit3A_70 : i32
    %rem3A_75 = vector.broadcast %select_n3A_74 : i32 to vector<16xi32>
    %rem3A_76 = arith.remsi %add3A_69, %rem3A_75 : vector<16xi32>
    %ne3A_77 = arith.constant 0 : i32
    %ne3A_78 = vector.broadcast %ne3A_77 : i32 to vector<16xi32>
    %ne3A_79 = arith.cmpi ne, %rem3A_76, %ne3A_78 : vector<16xi32>
    %lt3A_80 = arith.constant 0 : i32
    %lt3A_81 = vector.broadcast %lt3A_80 : i32 to vector<16xi32>
    %lt3A_82 = arith.cmpi slt, %rem3A_76, %lt3A_81 : vector<16xi32>
    %lt3A_83 = arith.constant 0 : i32
    %lt3A_84 = arith.cmpi slt, %select_n3A_74, %lt3A_83 : i32
    %ne3A_85 = vector.broadcast %lt3A_84 : i1 to vector<16xi1>
    %ne3A_86 = vector.broadcast %ne3A_85 : vector<16xi1> to vector<16xi1>
    %ne3A_87 = arith.xori %lt3A_82, %ne3A_86 : vector<16xi1>
    %and3A_88 = arith.andi %ne3A_87, %ne3A_79 : vector<16xi1>
    %add3A_89 = vector.broadcast %select_n3A_74 : i32 to vector<16xi32>
    %add3A_90 = arith.addi %rem3A_76, %add3A_89 : vector<16xi32>
    %select_n3A_91 = arith.select %and3A_88, %add3A_90, %rem3A_76 : vector<16xi1>, vector<16xi32>
    %add3A_92 = arith.constant 16 : i32
    %add3A_93 = vector.broadcast %add3A_92 : i32 to vector<16xi32>
    %add3A_94 = arith.addi %add3A_93, %iota3A : vector<16xi32>
    %jit3A_95 = arith.constant 8 : i32
    %div3A_96 = vector.broadcast %jit3A_95 : i32 to vector<16xi32>
    %div3A_97 = arith.divsi %add3A_94, %div3A_96 : vector<16xi32>
    %sign3A_98 = arith.constant 0 : i32
    %sign3A_99 = vector.broadcast %sign3A_98 : i32 to vector<16xi32>
    %sign3A_100 = arith.cmpi sgt, %add3A_94, %sign3A_99 : vector<16xi32>
    %sign3A_101 = arith.extui %sign3A_100 : vector<16xi1> to vector<16xi32>
    %sign3A_102 = arith.constant 0 : i32
    %sign3A_103 = vector.broadcast %sign3A_102 : i32 to vector<16xi32>
    %sign3A_104 = arith.cmpi slt, %add3A_94, %sign3A_103 : vector<16xi32>
    %sign3A_105 = arith.extui %sign3A_104 : vector<16xi1> to vector<16xi32>
    %sign3A_106 = arith.subi %sign3A_101, %sign3A_105 : vector<16xi32>
    %sign3A_107 = arith.constant 0 : i32
    %sign3A_108 = arith.cmpi sgt, %jit3A_95, %sign3A_107 : i32
    %sign3A_109 = arith.extui %sign3A_108 : i1 to i32
    %sign3A_110 = arith.constant 0 : i32
    %sign3A_111 = arith.cmpi slt, %jit3A_95, %sign3A_110 : i32
    %sign3A_112 = arith.extui %sign3A_111 : i1 to i32
    %sign3A_113 = arith.subi %sign3A_109, %sign3A_112 : i32
    %ne3A_114 = vector.broadcast %sign3A_113 : i32 to vector<16xi32>
    %ne3A_115 = arith.cmpi ne, %sign3A_106, %ne3A_114 : vector<16xi32>
    %rem3A_116 = vector.broadcast %jit3A_95 : i32 to vector<16xi32>
    %rem3A_117 = arith.remsi %add3A_94, %rem3A_116 : vector<16xi32>
    %ne3A_118 = arith.constant 0 : i32
    %ne3A_119 = vector.broadcast %ne3A_118 : i32 to vector<16xi32>
    %ne3A_120 = arith.cmpi ne, %rem3A_117, %ne3A_119 : vector<16xi32>
    %and3A_121 = arith.andi %ne3A_115, %ne3A_120 : vector<16xi1>
    %sub3A_122 = arith.constant 1 : i32
    %sub3A_123 = vector.broadcast %sub3A_122 : i32 to vector<16xi32>
    %sub3A_124 = arith.subi %div3A_97, %sub3A_123 : vector<16xi32>
    %select_n3A_125 = arith.select %and3A_121, %sub3A_124, %div3A_97 : vector<16xi1>, vector<16xi32>
    %add3A_126 = arith.constant 16 : i32
    %add3A_127 = vector.broadcast %add3A_126 : i32 to vector<16xi32>
    %add3A_128 = arith.addi %add3A_127, %iota3A : vector<16xi32>
    %jit3A_129 = arith.constant 8 : i32
    %eq3A_130 = arith.constant 0 : i32
    %eq3A_131 = arith.cmpi eq, %jit3A_129, %eq3A_130 : i32
    %jit3A_132 = arith.constant 1 : i32
    %select_n3A_133 = arith.select %eq3A_131, %jit3A_132, %jit3A_129 : i32
    %rem3A_134 = vector.broadcast %select_n3A_133 : i32 to vector<16xi32>
    %rem3A_135 = arith.remsi %add3A_128, %rem3A_134 : vector<16xi32>
    %ne3A_136 = arith.constant 0 : i32
    %ne3A_137 = vector.broadcast %ne3A_136 : i32 to vector<16xi32>
    %ne3A_138 = arith.cmpi ne, %rem3A_135, %ne3A_137 : vector<16xi32>
    %lt3A_139 = arith.constant 0 : i32
    %lt3A_140 = vector.broadcast %lt3A_139 : i32 to vector<16xi32>
    %lt3A_141 = arith.cmpi slt, %rem3A_135, %lt3A_140 : vector<16xi32>
    %lt3A_142 = arith.constant 0 : i32
    %lt3A_143 = arith.cmpi slt, %select_n3A_133, %lt3A_142 : i32
    %ne3A_144 = vector.broadcast %lt3A_143 : i1 to vector<16xi1>
    %ne3A_145 = vector.broadcast %ne3A_144 : vector<16xi1> to vector<16xi1>
    %ne3A_146 = arith.xori %lt3A_141, %ne3A_145 : vector<16xi1>
    %and3A_147 = arith.andi %ne3A_146, %ne3A_138 : vector<16xi1>
    %add3A_148 = vector.broadcast %select_n3A_133 : i32 to vector<16xi32>
    %add3A_149 = arith.addi %rem3A_135, %add3A_148 : vector<16xi32>
    %select_n3A_150 = arith.select %and3A_147, %add3A_149, %rem3A_135 : vector<16xi1>, vector<16xi32>
    %add3A_151 = arith.constant 32 : i32
    %add3A_152 = vector.broadcast %add3A_151 : i32 to vector<16xi32>
    %add3A_153 = arith.addi %add3A_152, %iota3A : vector<16xi32>
    %jit3A_154 = arith.constant 8 : i32
    %div3A_155 = vector.broadcast %jit3A_154 : i32 to vector<16xi32>
    %div3A_156 = arith.divsi %add3A_153, %div3A_155 : vector<16xi32>
    %sign3A_157 = arith.constant 0 : i32
    %sign3A_158 = vector.broadcast %sign3A_157 : i32 to vector<16xi32>
    %sign3A_159 = arith.cmpi sgt, %add3A_153, %sign3A_158 : vector<16xi32>
    %sign3A_160 = arith.extui %sign3A_159 : vector<16xi1> to vector<16xi32>
    %sign3A_161 = arith.constant 0 : i32
    %sign3A_162 = vector.broadcast %sign3A_161 : i32 to vector<16xi32>
    %sign3A_163 = arith.cmpi slt, %add3A_153, %sign3A_162 : vector<16xi32>
    %sign3A_164 = arith.extui %sign3A_163 : vector<16xi1> to vector<16xi32>
    %sign3A_165 = arith.subi %sign3A_160, %sign3A_164 : vector<16xi32>
    %sign3A_166 = arith.constant 0 : i32
    %sign3A_167 = arith.cmpi sgt, %jit3A_154, %sign3A_166 : i32
    %sign3A_168 = arith.extui %sign3A_167 : i1 to i32
    %sign3A_169 = arith.constant 0 : i32
    %sign3A_170 = arith.cmpi slt, %jit3A_154, %sign3A_169 : i32
    %sign3A_171 = arith.extui %sign3A_170 : i1 to i32
    %sign3A_172 = arith.subi %sign3A_168, %sign3A_171 : i32
    %ne3A_173 = vector.broadcast %sign3A_172 : i32 to vector<16xi32>
    %ne3A_174 = arith.cmpi ne, %sign3A_165, %ne3A_173 : vector<16xi32>
    %rem3A_175 = vector.broadcast %jit3A_154 : i32 to vector<16xi32>
    %rem3A_176 = arith.remsi %add3A_153, %rem3A_175 : vector<16xi32>
    %ne3A_177 = arith.constant 0 : i32
    %ne3A_178 = vector.broadcast %ne3A_177 : i32 to vector<16xi32>
    %ne3A_179 = arith.cmpi ne, %rem3A_176, %ne3A_178 : vector<16xi32>
    %and3A_180 = arith.andi %ne3A_174, %ne3A_179 : vector<16xi1>
    %sub3A_181 = arith.constant 1 : i32
    %sub3A_182 = vector.broadcast %sub3A_181 : i32 to vector<16xi32>
    %sub3A_183 = arith.subi %div3A_156, %sub3A_182 : vector<16xi32>
    %select_n3A_184 = arith.select %and3A_180, %sub3A_183, %div3A_156 : vector<16xi1>, vector<16xi32>
    %add3A_185 = arith.constant 32 : i32
    %add3A_186 = vector.broadcast %add3A_185 : i32 to vector<16xi32>
    %add3A_187 = arith.addi %add3A_186, %iota3A : vector<16xi32>
    %jit3A_188 = arith.constant 8 : i32
    %eq3A_189 = arith.constant 0 : i32
    %eq3A_190 = arith.cmpi eq, %jit3A_188, %eq3A_189 : i32
    %jit3A_191 = arith.constant 1 : i32
    %select_n3A_192 = arith.select %eq3A_190, %jit3A_191, %jit3A_188 : i32
    %rem3A_193 = vector.broadcast %select_n3A_192 : i32 to vector<16xi32>
    %rem3A_194 = arith.remsi %add3A_187, %rem3A_193 : vector<16xi32>
    %ne3A_195 = arith.constant 0 : i32
    %ne3A_196 = vector.broadcast %ne3A_195 : i32 to vector<16xi32>
    %ne3A_197 = arith.cmpi ne, %rem3A_194, %ne3A_196 : vector<16xi32>
    %lt3A_198 = arith.constant 0 : i32
    %lt3A_199 = vector.broadcast %lt3A_198 : i32 to vector<16xi32>
    %lt3A_200 = arith.cmpi slt, %rem3A_194, %lt3A_199 : vector<16xi32>
    %lt3A_201 = arith.constant 0 : i32
    %lt3A_202 = arith.cmpi slt, %select_n3A_192, %lt3A_201 : i32
    %ne3A_203 = vector.broadcast %lt3A_202 : i1 to vector<16xi1>
    %ne3A_204 = vector.broadcast %ne3A_203 : vector<16xi1> to vector<16xi1>
    %ne3A_205 = arith.xori %lt3A_200, %ne3A_204 : vector<16xi1>
    %and3A_206 = arith.andi %ne3A_205, %ne3A_197 : vector<16xi1>
    %add3A_207 = vector.broadcast %select_n3A_192 : i32 to vector<16xi32>
    %add3A_208 = arith.addi %rem3A_194, %add3A_207 : vector<16xi32>
    %select_n3A_209 = arith.select %and3A_206, %add3A_208, %rem3A_194 : vector<16xi1>, vector<16xi32>
    %add3A_210 = arith.constant 48 : i32
    %add3A_211 = vector.broadcast %add3A_210 : i32 to vector<16xi32>
    %add3A_212 = arith.addi %add3A_211, %iota3A : vector<16xi32>
    %jit3A_213 = arith.constant 8 : i32
    %div3A_214 = vector.broadcast %jit3A_213 : i32 to vector<16xi32>
    %div3A_215 = arith.divsi %add3A_212, %div3A_214 : vector<16xi32>
    %sign3A_216 = arith.constant 0 : i32
    %sign3A_217 = vector.broadcast %sign3A_216 : i32 to vector<16xi32>
    %sign3A_218 = arith.cmpi sgt, %add3A_212, %sign3A_217 : vector<16xi32>
    %sign3A_219 = arith.extui %sign3A_218 : vector<16xi1> to vector<16xi32>
    %sign3A_220 = arith.constant 0 : i32
    %sign3A_221 = vector.broadcast %sign3A_220 : i32 to vector<16xi32>
    %sign3A_222 = arith.cmpi slt, %add3A_212, %sign3A_221 : vector<16xi32>
    %sign3A_223 = arith.extui %sign3A_222 : vector<16xi1> to vector<16xi32>
    %sign3A_224 = arith.subi %sign3A_219, %sign3A_223 : vector<16xi32>
    %sign3A_225 = arith.constant 0 : i32
    %sign3A_226 = arith.cmpi sgt, %jit3A_213, %sign3A_225 : i32
    %sign3A_227 = arith.extui %sign3A_226 : i1 to i32
    %sign3A_228 = arith.constant 0 : i32
    %sign3A_229 = arith.cmpi slt, %jit3A_213, %sign3A_228 : i32
    %sign3A_230 = arith.extui %sign3A_229 : i1 to i32
    %sign3A_231 = arith.subi %sign3A_227, %sign3A_230 : i32
    %ne3A_232 = vector.broadcast %sign3A_231 : i32 to vector<16xi32>
    %ne3A_233 = arith.cmpi ne, %sign3A_224, %ne3A_232 : vector<16xi32>
    %rem3A_234 = vector.broadcast %jit3A_213 : i32 to vector<16xi32>
    %rem3A_235 = arith.remsi %add3A_212, %rem3A_234 : vector<16xi32>
    %ne3A_236 = arith.constant 0 : i32
    %ne3A_237 = vector.broadcast %ne3A_236 : i32 to vector<16xi32>
    %ne3A_238 = arith.cmpi ne, %rem3A_235, %ne3A_237 : vector<16xi32>
    %and3A_239 = arith.andi %ne3A_233, %ne3A_238 : vector<16xi1>
    %sub3A_240 = arith.constant 1 : i32
    %sub3A_241 = vector.broadcast %sub3A_240 : i32 to vector<16xi32>
    %sub3A_242 = arith.subi %div3A_215, %sub3A_241 : vector<16xi32>
    %select_n3A_243 = arith.select %and3A_239, %sub3A_242, %div3A_215 : vector<16xi1>, vector<16xi32>
    %add3A_244 = arith.constant 48 : i32
    %add3A_245 = vector.broadcast %add3A_244 : i32 to vector<16xi32>
    %add3A_246 = arith.addi %add3A_245, %iota3A : vector<16xi32>
    %jit3A_247 = arith.constant 8 : i32
    %eq3A_248 = arith.constant 0 : i32
    %eq3A_249 = arith.cmpi eq, %jit3A_247, %eq3A_248 : i32
    %jit3A_250 = arith.constant 1 : i32
    %select_n3A_251 = arith.select %eq3A_249, %jit3A_250, %jit3A_247 : i32
    %rem3A_252 = vector.broadcast %select_n3A_251 : i32 to vector<16xi32>
    %rem3A_253 = arith.remsi %add3A_246, %rem3A_252 : vector<16xi32>
    %ne3A_254 = arith.constant 0 : i32
    %ne3A_255 = vector.broadcast %ne3A_254 : i32 to vector<16xi32>
    %ne3A_256 = arith.cmpi ne, %rem3A_253, %ne3A_255 : vector<16xi32>
    %lt3A_257 = arith.constant 0 : i32
    %lt3A_258 = vector.broadcast %lt3A_257 : i32 to vector<16xi32>
    %lt3A_259 = arith.cmpi slt, %rem3A_253, %lt3A_258 : vector<16xi32>
    %lt3A_260 = arith.constant 0 : i32
    %lt3A_261 = arith.cmpi slt, %select_n3A_251, %lt3A_260 : i32
    %ne3A_262 = vector.broadcast %lt3A_261 : i1 to vector<16xi1>
    %ne3A_263 = vector.broadcast %ne3A_262 : vector<16xi1> to vector<16xi1>
    %ne3A_264 = arith.xori %lt3A_259, %ne3A_263 : vector<16xi1>
    %and3A_265 = arith.andi %ne3A_264, %ne3A_256 : vector<16xi1>
    %add3A_266 = vector.broadcast %select_n3A_251 : i32 to vector<16xi32>
    %add3A_267 = arith.addi %rem3A_253, %add3A_266 : vector<16xi32>
    %select_n3A_268 = arith.select %and3A_265, %add3A_267, %rem3A_253 : vector<16xi1>, vector<16xi32>
    %dma_start3A = arith.constant 0 : i32
    %dma_start3A_269 = arith.constant 0 : i32
    %dma_start3A_270 = arith.constant 0 : i32
    %dma_start3A_271 = arith.constant 0 : i32
    %dma_start3A_272 = tpu.memref_slice %arg6[%dma_start3A_269, %dma_start3A_270, %dma_start3A_271] : memref<2x128x64xf32, #tpu.memory_space<vmem>> -> memref<1x128x64xf32, #tpu.memory_space<vmem>>
    %dma_start3A_273 = tpu.memref_squeeze %dma_start3A_272 : memref<1x128x64xf32, #tpu.memory_space<vmem>> -> memref<128x64xf32, #tpu.memory_space<vmem>>
    %dma_start3A_274 = arith.constant 0 : i32
    %dma_start3A_275 = tpu.memref_slice %arg5[%dma_start3A, %dma_start3A_274] : memref<50x128xi32, #tpu.memory_space<vmem>> -> memref<1x128xi32, #tpu.memory_space<vmem>>
    %dma_start3A_276 = tpu.memref_squeeze %dma_start3A_275 : memref<1x128xi32, #tpu.memory_space<vmem>> -> memref<128xi32, #tpu.memory_space<vmem>>
    %dma_start3A_277 = arith.constant 0 : i32
    %dma_start3A_278 = arith.constant 0 : i32
    %dma_start3A_279 = tpu.memref_slice %arg3[%dma_start3A_277, %dma_start3A_278] : memref<200000x64xf32, #tpu.memory_space<hbm>> -> memref<200000x64xf32, #tpu.memory_space<hbm>>
    tpu.enqueue_indirect_dma source(%dma_start3A_279 : memref<200000x64xf32, #tpu.memory_space<hbm>>) target(%dma_start3A_273 : memref<128x64xf32, #tpu.memory_space<vmem>>) offsets(%dma_start3A_276 : memref<128xi32, #tpu.memory_space<vmem>>) semaphore(%arg8 : memref<!tpu.dma_semaphore, #tpu.memory_space<semaphore_mem>>)
    %dma_start3A_280 = arith.constant 1 : i32
    %dma_start3A_281 = arith.constant 1 : i32
    %dma_start3A_282 = arith.constant 0 : i32
    %dma_start3A_283 = arith.constant 0 : i32
    %dma_start3A_284 = tpu.memref_slice %arg6[%dma_start3A_281, %dma_start3A_282, %dma_start3A_283] : memref<2x128x64xf32, #tpu.memory_space<vmem>> -> memref<1x128x64xf32, #tpu.memory_space<vmem>>
    %dma_start3A_285 = tpu.memref_squeeze %dma_start3A_284 : memref<1x128x64xf32, #tpu.memory_space<vmem>> -> memref<128x64xf32, #tpu.memory_space<vmem>>
    %dma_start3A_286 = arith.constant 0 : i32
    %dma_start3A_287 = tpu.memref_slice %arg5[%dma_start3A_280, %dma_start3A_286] : memref<50x128xi32, #tpu.memory_space<vmem>> -> memref<1x128xi32, #tpu.memory_space<vmem>>
    %dma_start3A_288 = tpu.memref_squeeze %dma_start3A_287 : memref<1x128xi32, #tpu.memory_space<vmem>> -> memref<128xi32, #tpu.memory_space<vmem>>
    %dma_start3A_289 = arith.constant 0 : i32
    %dma_start3A_290 = arith.constant 0 : i32
    %dma_start3A_291 = tpu.memref_slice %arg3[%dma_start3A_289, %dma_start3A_290] : memref<200000x64xf32, #tpu.memory_space<hbm>> -> memref<200000x64xf32, #tpu.memory_space<hbm>>
    tpu.enqueue_indirect_dma source(%dma_start3A_291 : memref<200000x64xf32, #tpu.memory_space<hbm>>) target(%dma_start3A_285 : memref<128x64xf32, #tpu.memory_space<vmem>>) offsets(%dma_start3A_288 : memref<128xi32, #tpu.memory_space<vmem>>) semaphore(%arg9 : memref<!tpu.dma_semaphore, #tpu.memory_space<semaphore_mem>>)
    %scan3A = arith.constant 0 : i32
    %scan3A_292 = arith.constant 0 : i32
    %scan3A_293 = arith.constant 25 : i32
    %scan3A_294 = arith.addi %scan3A_292, %scan3A_293 : i32
    %scan3A_295 = arith.constant 1 : i32
    scf.for %scan3A_297 = %scan3A_292 to %scan3A_294 step %scan3A_295  : i32 {
      %mul3A_298 = arith.constant 2 : i32
      %mul3A_299 = arith.muli %mul3A_298, %scan3A_297 : i32
      %dma_wait3A = arith.constant 0 : i32
      %dma_wait3A_300 = arith.constant 0 : i32
      %dma_wait3A_301 = arith.constant 0 : i32
      %dma_wait3A_302 = arith.constant 0 : i32
      %dma_wait3A_303 = tpu.memref_slice %arg6[%dma_wait3A_300, %dma_wait3A_301, %dma_wait3A_302] : memref<2x128x64xf32, #tpu.memory_space<vmem>> -> memref<1x128x64xf32, #tpu.memory_space<vmem>>
      %dma_wait3A_304 = tpu.memref_squeeze %dma_wait3A_303 : memref<1x128x64xf32, #tpu.memory_space<vmem>> -> memref<128x64xf32, #tpu.memory_space<vmem>>
      %dma_wait3A_305 = arith.constant 0 : i32
      %dma_wait3A_306 = tpu.memref_slice %arg5[%dma_wait3A, %dma_wait3A_305] : memref<50x128xi32, #tpu.memory_space<vmem>> -> memref<1x128xi32, #tpu.memory_space<vmem>>
      %dma_wait3A_307 = tpu.memref_squeeze %dma_wait3A_306 : memref<1x128xi32, #tpu.memory_space<vmem>> -> memref<128xi32, #tpu.memory_space<vmem>>
      %dma_wait3A_308 = arith.constant 0 : i32
      %dma_wait3A_309 = arith.constant 0 : i32
      %dma_wait3A_310 = tpu.memref_slice %arg3[%dma_wait3A_308, %dma_wait3A_309] : memref<200000x64xf32, #tpu.memory_space<hbm>> -> memref<200000x64xf32, #tpu.memory_space<hbm>>
      tpu.wait_indirect_dma semaphore(%arg8 : memref<!tpu.dma_semaphore, #tpu.memory_space<semaphore_mem>>) src(%dma_wait3A_310 : memref<200000x64xf32, #tpu.memory_space<hbm>>) dst(%dma_wait3A_304 : memref<128x64xf32, #tpu.memory_space<vmem>>)
      %parallel_loop3A = arith.constant 0 : i32
      %parallel_loop3A_311 = arith.constant 128 : i32
      %parallel_loop3A_312 = arith.constant 1 : i32
      %parallel_loop3A_313 = arith.constant 0 : i32
      scf.for %parallel_loop3A_347 = %parallel_loop3A to %parallel_loop3A_311 step %parallel_loop3A_312  : i32 {
        %parallel_loop3A_348 = arith.constant 32 : i32
        %parallel_loop3A_349 = arith.divsi %parallel_loop3A_347, %parallel_loop3A_348 : i32
        %parallel_loop3A_350 = arith.constant 0 : i32
        %parallel_loop3A_351 = arith.cmpi sgt, %parallel_loop3A_347, %parallel_loop3A_350 : i32
        %parallel_loop3A_352 = arith.extui %parallel_loop3A_351 : i1 to i32
        %parallel_loop3A_353 = arith.constant 0 : i32
        %parallel_loop3A_354 = arith.cmpi slt, %parallel_loop3A_347, %parallel_loop3A_353 : i32
        %parallel_loop3A_355 = arith.extui %parallel_loop3A_354 : i1 to i32
        %parallel_loop3A_356 = arith.subi %parallel_loop3A_352, %parallel_loop3A_355 : i32
        %parallel_loop3A_357 = arith.constant 0 : i32
        %parallel_loop3A_358 = arith.cmpi sgt, %parallel_loop3A_348, %parallel_loop3A_357 : i32
        %parallel_loop3A_359 = arith.extui %parallel_loop3A_358 : i1 to i32
        %parallel_loop3A_360 = arith.constant 0 : i32
        %parallel_loop3A_361 = arith.cmpi slt, %parallel_loop3A_348, %parallel_loop3A_360 : i32
        %parallel_loop3A_362 = arith.extui %parallel_loop3A_361 : i1 to i32
        %parallel_loop3A_363 = arith.subi %parallel_loop3A_359, %parallel_loop3A_362 : i32
        %parallel_loop3A_364 = arith.cmpi ne, %parallel_loop3A_356, %parallel_loop3A_363 : i32
        %parallel_loop3A_365 = arith.remsi %parallel_loop3A_347, %parallel_loop3A_348 : i32
        %parallel_loop3A_366 = arith.constant 0 : i32
        %parallel_loop3A_367 = arith.cmpi ne, %parallel_loop3A_365, %parallel_loop3A_366 : i32
        %parallel_loop3A_368 = arith.andi %parallel_loop3A_364, %parallel_loop3A_367 : i1
        %parallel_loop3A_369 = arith.constant 1 : i32
        %parallel_loop3A_370 = arith.subi %parallel_loop3A_349, %parallel_loop3A_369 : i32
        %parallel_loop3A_371 = arith.select %parallel_loop3A_368, %parallel_loop3A_370, %parallel_loop3A_349 : i32
        %parallel_loop3A_372 = arith.constant 0 : i32
        %parallel_loop3A_373 = vector.broadcast %parallel_loop3A_372 : i32 to vector<16xi32>
        %parallel_loop3A_374 = arith.constant 32 : i32
        %parallel_loop3A_375 = arith.constant 0 : i32
        %parallel_loop3A_376 = arith.cmpi eq, %parallel_loop3A_374, %parallel_loop3A_375 : i32
        %parallel_loop3A_377 = arith.constant 1 : i32
        %parallel_loop3A_378 = arith.select %parallel_loop3A_376, %parallel_loop3A_377, %parallel_loop3A_374 : i32
        %parallel_loop3A_379 = arith.remsi %parallel_loop3A_347, %parallel_loop3A_378 : i32
        %parallel_loop3A_380 = arith.constant 0 : i32
        %parallel_loop3A_381 = arith.cmpi ne, %parallel_loop3A_379, %parallel_loop3A_380 : i32
        %parallel_loop3A_382 = arith.constant 0 : i32
        %parallel_loop3A_383 = arith.cmpi slt, %parallel_loop3A_379, %parallel_loop3A_382 : i32
        %parallel_loop3A_384 = arith.constant 0 : i32
        %parallel_loop3A_385 = arith.cmpi slt, %parallel_loop3A_378, %parallel_loop3A_384 : i32
        %parallel_loop3A_386 = arith.xori %parallel_loop3A_383, %parallel_loop3A_385 : i1
        %parallel_loop3A_387 = arith.andi %parallel_loop3A_386, %parallel_loop3A_381 : i1
        %parallel_loop3A_388 = arith.addi %parallel_loop3A_379, %parallel_loop3A_378 : i32
        %parallel_loop3A_389 = arith.select %parallel_loop3A_387, %parallel_loop3A_388, %parallel_loop3A_379 : i32
        %parallel_loop3A_390 = vector.broadcast %parallel_loop3A_389 : i32 to vector<16xi32>
        %parallel_loop3A_391 = arith.addi %parallel_loop3A_373, %parallel_loop3A_390 : vector<16xi32>
        %parallel_loop3A_392 = arith.constant 0 : i32
        %parallel_loop3A_393 = arith.constant 0 : i32
        %parallel_loop3A_394 = tpu.memref_slice %arg6[%parallel_loop3A_313, %parallel_loop3A_392, %parallel_loop3A_393] : memref<2x128x64xf32, #tpu.memory_space<vmem>> -> memref<1x128x64xf32, #tpu.memory_space<vmem>>
        %parallel_loop3A_395 = tpu.memref_squeeze %parallel_loop3A_394 : memref<1x128x64xf32, #tpu.memory_space<vmem>> -> memref<128x64xf32, #tpu.memory_space<vmem>>
        %parallel_loop3A_396 = arith.index_cast %parallel_loop3A_347 : i32 to index
        %parallel_loop3A_397 = arith.constant 0 : index
        %parallel_loop3A_398 = tpu.vector_load %parallel_loop3A_395[%parallel_loop3A_396, %parallel_loop3A_397] {strides = array<i32>} : memref<128x64xf32, #tpu.memory_space<vmem>>, vector<16xf32>,
        %parallel_loop3A_399 = arith.constant 0 : i32
        %parallel_loop3A_400 = arith.constant 0 : i32
        %parallel_loop3A_401 = tpu.memref_slice %arg6[%parallel_loop3A_313, %parallel_loop3A_399, %parallel_loop3A_400] : memref<2x128x64xf32, #tpu.memory_space<vmem>> -> memref<1x128x64xf32, #tpu.memory_space<vmem>>
        %parallel_loop3A_402 = tpu.memref_squeeze %parallel_loop3A_401 : memref<1x128x64xf32, #tpu.memory_space<vmem>> -> memref<128x64xf32, #tpu.memory_space<vmem>>
        %parallel_loop3A_403 = arith.index_cast %parallel_loop3A_347 : i32 to index
        %parallel_loop3A_404 = arith.constant 16 : index
        %parallel_loop3A_405 = tpu.vector_load %parallel_loop3A_402[%parallel_loop3A_403, %parallel_loop3A_404] {strides = array<i32>} : memref<128x64xf32, #tpu.memory_space<vmem>>, vector<16xf32>,
        %parallel_loop3A_406 = arith.constant 0 : i32
        %parallel_loop3A_407 = arith.constant 0 : i32
        %parallel_loop3A_408 = tpu.memref_slice %arg6[%parallel_loop3A_313, %parallel_loop3A_406, %parallel_loop3A_407] : memref<2x128x64xf32, #tpu.memory_space<vmem>> -> memref<1x128x64xf32, #tpu.memory_space<vmem>>
        %parallel_loop3A_409 = tpu.memref_squeeze %parallel_loop3A_408 : memref<1x128x64xf32, #tpu.memory_space<vmem>> -> memref<128x64xf32, #tpu.memory_space<vmem>>
        %parallel_loop3A_410 = arith.index_cast %parallel_loop3A_347 : i32 to index
        %parallel_loop3A_411 = arith.constant 32 : index
        %parallel_loop3A_412 = tpu.vector_load %parallel_loop3A_409[%parallel_loop3A_410, %parallel_loop3A_411] {strides = array<i32>} : memref<128x64xf32, #tpu.memory_space<vmem>>, vector<16xf32>,
        %parallel_loop3A_413 = arith.constant 0 : i32
        %parallel_loop3A_414 = arith.constant 0 : i32
        %parallel_loop3A_415 = tpu.memref_slice %arg6[%parallel_loop3A_313, %parallel_loop3A_413, %parallel_loop3A_414] : memref<2x128x64xf32, #tpu.memory_space<vmem>> -> memref<1x128x64xf32, #tpu.memory_space<vmem>>
        %parallel_loop3A_416 = tpu.memref_squeeze %parallel_loop3A_415 : memref<1x128x64xf32, #tpu.memory_space<vmem>> -> memref<128x64xf32, #tpu.memory_space<vmem>>
        %parallel_loop3A_417 = arith.index_cast %parallel_loop3A_347 : i32 to index
        %parallel_loop3A_418 = arith.constant 48 : index
        %parallel_loop3A_419 = tpu.vector_load %parallel_loop3A_416[%parallel_loop3A_417, %parallel_loop3A_418] {strides = array<i32>} : memref<128x64xf32, #tpu.memory_space<vmem>>, vector<16xf32>,
        %parallel_loop3A_420 = arith.constant 0 : i32
        %parallel_loop3A_421 = arith.constant 0 : i32
        %parallel_loop3A_422 = arith.constant 0 : i32
        %parallel_loop3A_423 = arith.constant 0 : i32
        %parallel_loop3A_424 = tpu.memref_slice %arg7[%parallel_loop3A_420, %parallel_loop3A_371, %parallel_loop3A_421, %parallel_loop3A_422, %parallel_loop3A_423] : memref<2x4x8x8x33xf32, #tpu.memory_space<vmem>> -> memref<1x1x8x8x33xf32, #tpu.memory_space<vmem>>
        %parallel_loop3A_425 = tpu.memref_squeeze %parallel_loop3A_424 : memref<1x1x8x8x33xf32, #tpu.memory_space<vmem>> -> memref<8x8x33xf32, #tpu.memory_space<vmem>>
        tpu.vector_store_idx %parallel_loop3A_425[%select_n3A_66, %select_n3A_91, %parallel_loop3A_391], %parallel_loop3A_398 : memref<8x8x33xf32, #tpu.memory_space<vmem>>[vector<16xi32>, vector<16xi32>, vector<16xi32>], vector<16xf32>,
        %parallel_loop3A_426 = arith.constant 0 : i32
        %parallel_loop3A_427 = arith.constant 0 : i32
        %parallel_loop3A_428 = arith.constant 0 : i32
        %parallel_loop3A_429 = arith.constant 0 : i32
        %parallel_loop3A_430 = tpu.memref_slice %arg7[%parallel_loop3A_426, %parallel_loop3A_371, %parallel_loop3A_427, %parallel_loop3A_428, %parallel_loop3A_429] : memref<2x4x8x8x33xf32, #tpu.memory_space<vmem>> -> memref<1x1x8x8x33xf32, #tpu.memory_space<vmem>>
        %parallel_loop3A_431 = tpu.memref_squeeze %parallel_loop3A_430 : memref<1x1x8x8x33xf32, #tpu.memory_space<vmem>> -> memref<8x8x33xf32, #tpu.memory_space<vmem>>
        tpu.vector_store_idx %parallel_loop3A_431[%select_n3A_125, %select_n3A_150, %parallel_loop3A_391], %parallel_loop3A_405 : memref<8x8x33xf32, #tpu.memory_space<vmem>>[vector<16xi32>, vector<16xi32>, vector<16xi32>], vector<16xf32>,
        %parallel_loop3A_432 = arith.constant 0 : i32
        %parallel_loop3A_433 = arith.constant 0 : i32
        %parallel_loop3A_434 = arith.constant 0 : i32
        %parallel_loop3A_435 = arith.constant 0 : i32
        %parallel_loop3A_436 = tpu.memref_slice %arg7[%parallel_loop3A_432, %parallel_loop3A_371, %parallel_loop3A_433, %parallel_loop3A_434, %parallel_loop3A_435] : memref<2x4x8x8x33xf32, #tpu.memory_space<vmem>> -> memref<1x1x8x8x33xf32, #tpu.memory_space<vmem>>
        %parallel_loop3A_437 = tpu.memref_squeeze %parallel_loop3A_436 : memref<1x1x8x8x33xf32, #tpu.memory_space<vmem>> -> memref<8x8x33xf32, #tpu.memory_space<vmem>>
        tpu.vector_store_idx %parallel_loop3A_437[%select_n3A_184, %select_n3A_209, %parallel_loop3A_391], %parallel_loop3A_412 : memref<8x8x33xf32, #tpu.memory_space<vmem>>[vector<16xi32>, vector<16xi32>, vector<16xi32>], vector<16xf32>,
        %parallel_loop3A_438 = arith.constant 0 : i32
        %parallel_loop3A_439 = arith.constant 0 : i32
        %parallel_loop3A_440 = arith.constant 0 : i32
        %parallel_loop3A_441 = arith.constant 0 : i32
        %parallel_loop3A_442 = tpu.memref_slice %arg7[%parallel_loop3A_438, %parallel_loop3A_371, %parallel_loop3A_439, %parallel_loop3A_440, %parallel_loop3A_441] : memref<2x4x8x8x33xf32, #tpu.memory_space<vmem>> -> memref<1x1x8x8x33xf32, #tpu.memory_space<vmem>>
        %parallel_loop3A_443 = tpu.memref_squeeze %parallel_loop3A_442 : memref<1x1x8x8x33xf32, #tpu.memory_space<vmem>> -> memref<8x8x33xf32, #tpu.memory_space<vmem>>
        tpu.vector_store_idx %parallel_loop3A_443[%select_n3A_243, %select_n3A_268, %parallel_loop3A_391], %parallel_loop3A_419 : memref<8x8x33xf32, #tpu.memory_space<vmem>>[vector<16xi32>, vector<16xi32>, vector<16xi32>], vector<16xf32>,
      } {sc.loop_unroll_factor = 4 : i64, sc.parallel_access}
      %lt3A_314 = arith.constant 24 : i32
      %lt3A_315 = arith.cmpi slt, %scan3A_297, %lt3A_314 : i32
      %convert_element_type3A = arith.extui %lt3A_315 : i1 to i32
      %cond3A = arith.constant 0 : i32
      %cond3A_316 = arith.cmpi ne, %convert_element_type3A, %cond3A : i32
      scf.if %cond3A_316 {
        %add3A_347 = arith.constant 2 : i32
        %add3A_348 = arith.addi %mul3A_299, %add3A_347 : i32
        %dma_start3A_349 = arith.constant 0 : i32
        %dma_start3A_350 = arith.constant 0 : i32
        %dma_start3A_351 = arith.constant 0 : i32
        %dma_start3A_352 = tpu.memref_slice %arg6[%dma_start3A_349, %dma_start3A_350, %dma_start3A_351] : memref<2x128x64xf32, #tpu.memory_space<vmem>> -> memref<1x128x64xf32, #tpu.memory_space<vmem>>
        %dma_start3A_353 = tpu.memref_squeeze %dma_start3A_352 : memref<1x128x64xf32, #tpu.memory_space<vmem>> -> memref<128x64xf32, #tpu.memory_space<vmem>>
        %dma_start3A_354 = arith.constant 0 : i32
        %dma_start3A_355 = tpu.memref_slice %arg5[%add3A_348, %dma_start3A_354] : memref<50x128xi32, #tpu.memory_space<vmem>> -> memref<1x128xi32, #tpu.memory_space<vmem>>
        %dma_start3A_356 = tpu.memref_squeeze %dma_start3A_355 : memref<1x128xi32, #tpu.memory_space<vmem>> -> memref<128xi32, #tpu.memory_space<vmem>>
        %dma_start3A_357 = arith.constant 0 : i32
        %dma_start3A_358 = arith.constant 0 : i32
        %dma_start3A_359 = tpu.memref_slice %arg3[%dma_start3A_357, %dma_start3A_358] : memref<200000x64xf32, #tpu.memory_space<hbm>> -> memref<200000x64xf32, #tpu.memory_space<hbm>>
        tpu.enqueue_indirect_dma source(%dma_start3A_359 : memref<200000x64xf32, #tpu.memory_space<hbm>>) target(%dma_start3A_353 : memref<128x64xf32, #tpu.memory_space<vmem>>) offsets(%dma_start3A_356 : memref<128xi32, #tpu.memory_space<vmem>>) semaphore(%arg8 : memref<!tpu.dma_semaphore, #tpu.memory_space<semaphore_mem>>)
      } else {
      }
      %mul3A_317 = arith.constant 4 : i32
      %mul3A_318 = arith.muli %mul3A_317, %mul3A_299 : i32
      %run_scoped3A = arith.constant 0 : i32
      "tpu.region"() ({
        %run_scoped3A_347 = tpu.sem_alloc : memref<!tpu.dma_semaphore, #tpu.memory_space<semaphore_mem>>
        %dma_start3A_348 = arith.constant 0 : i32
        %dma_start3A_349 = arith.constant 0 : i32
        %dma_start3A_350 = arith.constant 0 : i32
        %dma_start3A_351 = arith.constant 0 : i32
        %dma_start3A_352 = tpu.memref_slice %arg7[%run_scoped3A, %dma_start3A_348, %dma_start3A_349, %dma_start3A_350, %dma_start3A_351] : memref<2x4x8x8x33xf32, #tpu.memory_space<vmem>> -> memref<1x4x8x8x32xf32, #tpu.memory_space<vmem>>
        %dma_start3A_353 = tpu.memref_squeeze %dma_start3A_352 : memref<1x4x8x8x32xf32, #tpu.memory_space<vmem>> -> memref<4x8x8x32xf32, #tpu.memory_space<vmem>>
        %dma_start3A_354 = arith.constant 0 : i32
        %dma_start3A_355 = arith.constant 0 : i32
        %dma_start3A_356 = tpu.memref_slice %arg4[%mul3A_318, %dma_start3A_354, %select_n3A, %dma_start3A_355, %mul3A_32] : memref<200x8x8x8x128xf32, #tpu.memory_space<hbm>> -> memref<4x8x1x8x32xf32, #tpu.memory_space<hbm>>
        %dma_start3A_357 = tpu.memref_squeeze %dma_start3A_356 : memref<4x8x1x8x32xf32, #tpu.memory_space<hbm>> -> memref<4x8x8x32xf32, #tpu.memory_space<hbm>>
        %dma_start3A_358 = arith.constant 0 : i32
        %dma_start3A_359 = arith.constant 0 : i32
        %dma_start3A_360 = tpu.memref_slice %arg4[%mul3A_318, %dma_start3A_358, %select_n3A, %dma_start3A_359, %mul3A_32] : memref<200x8x8x8x128xf32, #tpu.memory_space<hbm>> -> memref<4x8x1x8x32xf32, #tpu.memory_space<hbm>>
        %dma_start3A_361 = tpu.memref_squeeze %dma_start3A_360 : memref<4x8x1x8x32xf32, #tpu.memory_space<hbm>> -> memref<4x8x8x32xf32, #tpu.memory_space<hbm>>
        %dma_start3A_362 = arith.constant 0 : i32
        %dma_start3A_363 = arith.constant 0 : i32
        %dma_start3A_364 = arith.constant 0 : i32
        %dma_start3A_365 = arith.constant 0 : i32
        %dma_start3A_366 = tpu.memref_slice %arg7[%run_scoped3A, %dma_start3A_362, %dma_start3A_363, %dma_start3A_364, %dma_start3A_365] : memref<2x4x8x8x33xf32, #tpu.memory_space<vmem>> -> memref<1x4x8x8x32xf32, #tpu.memory_space<vmem>>
        %dma_start3A_367 = tpu.memref_squeeze %dma_start3A_366 : memref<1x4x8x8x32xf32, #tpu.memory_space<vmem>> -> memref<4x8x8x32xf32, #tpu.memory_space<vmem>>
        tpu.enqueue_dma source(%dma_start3A_367 : memref<4x8x8x32xf32, #tpu.memory_space<vmem>>) target(%dma_start3A_361 : memref<4x8x8x32xf32, #tpu.memory_space<hbm>>) target_semaphore(%run_scoped3A_347 : memref<!tpu.dma_semaphore, #tpu.memory_space<semaphore_mem>>)
        %dma_wait3A_368 = arith.constant 0 : i32
        %dma_wait3A_369 = arith.constant 0 : i32
        %dma_wait3A_370 = arith.constant 0 : i32
        %dma_wait3A_371 = arith.constant 0 : i32
        %dma_wait3A_372 = tpu.memref_slice %arg7[%run_scoped3A, %dma_wait3A_368, %dma_wait3A_369, %dma_wait3A_370, %dma_wait3A_371] : memref<2x4x8x8x33xf32, #tpu.memory_space<vmem>> -> memref<1x4x8x8x32xf32, #tpu.memory_space<vmem>>
        %dma_wait3A_373 = tpu.memref_squeeze %dma_wait3A_372 : memref<1x4x8x8x32xf32, #tpu.memory_space<vmem>> -> memref<4x8x8x32xf32, #tpu.memory_space<vmem>>
        %dma_wait3A_374 = arith.constant 0 : i32
        %dma_wait3A_375 = arith.constant 0 : i32
        %dma_wait3A_376 = tpu.memref_slice %arg4[%mul3A_318, %dma_wait3A_374, %select_n3A, %dma_wait3A_375, %mul3A_32] : memref<200x8x8x8x128xf32, #tpu.memory_space<hbm>> -> memref<4x8x1x8x32xf32, #tpu.memory_space<hbm>>
        %dma_wait3A_377 = tpu.memref_squeeze %dma_wait3A_376 : memref<4x8x1x8x32xf32, #tpu.memory_space<hbm>> -> memref<4x8x8x32xf32, #tpu.memory_space<hbm>>
        %dma_wait3A_378 = arith.constant 0 : i32
        %dma_wait3A_379 = arith.constant 0 : i32
        %dma_wait3A_380 = tpu.memref_slice %arg4[%mul3A_318, %dma_wait3A_378, %select_n3A, %dma_wait3A_379, %mul3A_32] : memref<200x8x8x8x128xf32, #tpu.memory_space<hbm>> -> memref<4x8x1x8x32xf32, #tpu.memory_space<hbm>>
        %dma_wait3A_381 = tpu.memref_squeeze %dma_wait3A_380 : memref<4x8x1x8x32xf32, #tpu.memory_space<hbm>> -> memref<4x8x8x32xf32, #tpu.memory_space<hbm>>
        %dma_wait3A_382 = arith.constant 0 : i32
        %dma_wait3A_383 = arith.constant 0 : i32
        %dma_wait3A_384 = arith.constant 0 : i32
        %dma_wait3A_385 = arith.constant 0 : i32
        %dma_wait3A_386 = tpu.memref_slice %arg7[%run_scoped3A, %dma_wait3A_382, %dma_wait3A_383, %dma_wait3A_384, %dma_wait3A_385] : memref<2x4x8x8x33xf32, #tpu.memory_space<vmem>> -> memref<1x4x8x8x32xf32, #tpu.memory_space<vmem>>
        %dma_wait3A_387 = tpu.memref_squeeze %dma_wait3A_386 : memref<1x4x8x8x32xf32, #tpu.memory_space<vmem>> -> memref<4x8x8x32xf32, #tpu.memory_space<vmem>>
        tpu.wait_dma2 semaphore(%run_scoped3A_347 : memref<!tpu.dma_semaphore, #tpu.memory_space<semaphore_mem>>) src(%dma_wait3A_387 : memref<4x8x8x32xf32, #tpu.memory_space<vmem>>) dst(%dma_wait3A_381 : memref<4x8x8x32xf32, #tpu.memory_space<hbm>>)
        tpu.yield
      }) : () -> ()
      %mul3A_319 = arith.constant 2 : i32
      %mul3A_320 = arith.muli %mul3A_319, %scan3A_297 : i32
      %add3A_321 = arith.constant 1 : i32
      %add3A_322 = arith.addi %mul3A_320, %add3A_321 : i32
      %dma_wait3A_323 = arith.constant 0 : i32
      %dma_wait3A_324 = arith.constant 1 : i32
      %dma_wait3A_325 = arith.constant 0 : i32
      %dma_wait3A_326 = arith.constant 0 : i32
      %dma_wait3A_327 = tpu.memref_slice %arg6[%dma_wait3A_324, %dma_wait3A_325, %dma_wait3A_326] : memref<2x128x64xf32, #tpu.memory_space<vmem>> -> memref<1x128x64xf32, #tpu.memory_space<vmem>>
      %dma_wait3A_328 = tpu.memref_squeeze %dma_wait3A_327 : memref<1x128x64xf32, #tpu.memory_space<vmem>> -> memref<128x64xf32, #tpu.memory_space<vmem>>
      %dma_wait3A_329 = arith.constant 0 : i32
      %dma_wait3A_330 = tpu.memref_slice %arg5[%dma_wait3A_323, %dma_wait3A_329] : memref<50x128xi32, #tpu.memory_space<vmem>> -> memref<1x128xi32, #tpu.memory_space<vmem>>
      %dma_wait3A_331 = tpu.memref_squeeze %dma_wait3A_330 : memref<1x128xi32, #tpu.memory_space<vmem>> -> memref<128xi32, #tpu.memory_space<vmem>>
      %dma_wait3A_332 = arith.constant 0 : i32
      %dma_wait3A_333 = arith.constant 0 : i32
      %dma_wait3A_334 = tpu.memref_slice %arg3[%dma_wait3A_332, %dma_wait3A_333] : memref<200000x64xf32, #tpu.memory_space<hbm>> -> memref<200000x64xf32, #tpu.memory_space<hbm>>
      tpu.wait_indirect_dma semaphore(%arg9 : memref<!tpu.dma_semaphore, #tpu.memory_space<semaphore_mem>>) src(%dma_wait3A_334 : memref<200000x64xf32, #tpu.memory_space<hbm>>) dst(%dma_wait3A_328 : memref<128x64xf32, #tpu.memory_space<vmem>>)
      %parallel_loop3A_335 = arith.constant 0 : i32
      %parallel_loop3A_336 = arith.constant 128 : i32
      %parallel_loop3A_337 = arith.constant 1 : i32
      %parallel_loop3A_338 = arith.constant 1 : i32
      scf.for %parallel_loop3A_347 = %parallel_loop3A_335 to %parallel_loop3A_336 step %parallel_loop3A_337  : i32 {
        %parallel_loop3A_348 = arith.constant 32 : i32
        %parallel_loop3A_349 = arith.divsi %parallel_loop3A_347, %parallel_loop3A_348 : i32
        %parallel_loop3A_350 = arith.constant 0 : i32
        %parallel_loop3A_351 = arith.cmpi sgt, %parallel_loop3A_347, %parallel_loop3A_350 : i32
        %parallel_loop3A_352 = arith.extui %parallel_loop3A_351 : i1 to i32
        %parallel_loop3A_353 = arith.constant 0 : i32
        %parallel_loop3A_354 = arith.cmpi slt, %parallel_loop3A_347, %parallel_loop3A_353 : i32
        %parallel_loop3A_355 = arith.extui %parallel_loop3A_354 : i1 to i32
        %parallel_loop3A_356 = arith.subi %parallel_loop3A_352, %parallel_loop3A_355 : i32
        %parallel_loop3A_357 = arith.constant 0 : i32
        %parallel_loop3A_358 = arith.cmpi sgt, %parallel_loop3A_348, %parallel_loop3A_357 : i32
        %parallel_loop3A_359 = arith.extui %parallel_loop3A_358 : i1 to i32
        %parallel_loop3A_360 = arith.constant 0 : i32
        %parallel_loop3A_361 = arith.cmpi slt, %parallel_loop3A_348, %parallel_loop3A_360 : i32
        %parallel_loop3A_362 = arith.extui %parallel_loop3A_361 : i1 to i32
        %parallel_loop3A_363 = arith.subi %parallel_loop3A_359, %parallel_loop3A_362 : i32
        %parallel_loop3A_364 = arith.cmpi ne, %parallel_loop3A_356, %parallel_loop3A_363 : i32
        %parallel_loop3A_365 = arith.remsi %parallel_loop3A_347, %parallel_loop3A_348 : i32
        %parallel_loop3A_366 = arith.constant 0 : i32
        %parallel_loop3A_367 = arith.cmpi ne, %parallel_loop3A_365, %parallel_loop3A_366 : i32
        %parallel_loop3A_368 = arith.andi %parallel_loop3A_364, %parallel_loop3A_367 : i1
        %parallel_loop3A_369 = arith.constant 1 : i32
        %parallel_loop3A_370 = arith.subi %parallel_loop3A_349, %parallel_loop3A_369 : i32
        %parallel_loop3A_371 = arith.select %parallel_loop3A_368, %parallel_loop3A_370, %parallel_loop3A_349 : i32
        %parallel_loop3A_372 = arith.constant 0 : i32
        %parallel_loop3A_373 = vector.broadcast %parallel_loop3A_372 : i32 to vector<16xi32>
        %parallel_loop3A_374 = arith.constant 32 : i32
        %parallel_loop3A_375 = arith.constant 0 : i32
        %parallel_loop3A_376 = arith.cmpi eq, %parallel_loop3A_374, %parallel_loop3A_375 : i32
        %parallel_loop3A_377 = arith.constant 1 : i32
        %parallel_loop3A_378 = arith.select %parallel_loop3A_376, %parallel_loop3A_377, %parallel_loop3A_374 : i32
        %parallel_loop3A_379 = arith.remsi %parallel_loop3A_347, %parallel_loop3A_378 : i32
        %parallel_loop3A_380 = arith.constant 0 : i32
        %parallel_loop3A_381 = arith.cmpi ne, %parallel_loop3A_379, %parallel_loop3A_380 : i32
        %parallel_loop3A_382 = arith.constant 0 : i32
        %parallel_loop3A_383 = arith.cmpi slt, %parallel_loop3A_379, %parallel_loop3A_382 : i32
        %parallel_loop3A_384 = arith.constant 0 : i32
        %parallel_loop3A_385 = arith.cmpi slt, %parallel_loop3A_378, %parallel_loop3A_384 : i32
        %parallel_loop3A_386 = arith.xori %parallel_loop3A_383, %parallel_loop3A_385 : i1
        %parallel_loop3A_387 = arith.andi %parallel_loop3A_386, %parallel_loop3A_381 : i1
        %parallel_loop3A_388 = arith.addi %parallel_loop3A_379, %parallel_loop3A_378 : i32
        %parallel_loop3A_389 = arith.select %parallel_loop3A_387, %parallel_loop3A_388, %parallel_loop3A_379 : i32
        %parallel_loop3A_390 = vector.broadcast %parallel_loop3A_389 : i32 to vector<16xi32>
        %parallel_loop3A_391 = arith.addi %parallel_loop3A_373, %parallel_loop3A_390 : vector<16xi32>
        %parallel_loop3A_392 = arith.constant 0 : i32
        %parallel_loop3A_393 = arith.constant 0 : i32
        %parallel_loop3A_394 = tpu.memref_slice %arg6[%parallel_loop3A_338, %parallel_loop3A_392, %parallel_loop3A_393] : memref<2x128x64xf32, #tpu.memory_space<vmem>> -> memref<1x128x64xf32, #tpu.memory_space<vmem>>
        %parallel_loop3A_395 = tpu.memref_squeeze %parallel_loop3A_394 : memref<1x128x64xf32, #tpu.memory_space<vmem>> -> memref<128x64xf32, #tpu.memory_space<vmem>>
        %parallel_loop3A_396 = arith.index_cast %parallel_loop3A_347 : i32 to index
        %parallel_loop3A_397 = arith.constant 0 : index
        %parallel_loop3A_398 = tpu.vector_load %parallel_loop3A_395[%parallel_loop3A_396, %parallel_loop3A_397] {strides = array<i32>} : memref<128x64xf32, #tpu.memory_space<vmem>>, vector<16xf32>,
        %parallel_loop3A_399 = arith.constant 0 : i32
        %parallel_loop3A_400 = arith.constant 0 : i32
        %parallel_loop3A_401 = tpu.memref_slice %arg6[%parallel_loop3A_338, %parallel_loop3A_399, %parallel_loop3A_400] : memref<2x128x64xf32, #tpu.memory_space<vmem>> -> memref<1x128x64xf32, #tpu.memory_space<vmem>>
        %parallel_loop3A_402 = tpu.memref_squeeze %parallel_loop3A_401 : memref<1x128x64xf32, #tpu.memory_space<vmem>> -> memref<128x64xf32, #tpu.memory_space<vmem>>
        %parallel_loop3A_403 = arith.index_cast %parallel_loop3A_347 : i32 to index
        %parallel_loop3A_404 = arith.constant 16 : index
        %parallel_loop3A_405 = tpu.vector_load %parallel_loop3A_402[%parallel_loop3A_403, %parallel_loop3A_404] {strides = array<i32>} : memref<128x64xf32, #tpu.memory_space<vmem>>, vector<16xf32>,
        %parallel_loop3A_406 = arith.constant 0 : i32
        %parallel_loop3A_407 = arith.constant 0 : i32
        %parallel_loop3A_408 = tpu.memref_slice %arg6[%parallel_loop3A_338, %parallel_loop3A_406, %parallel_loop3A_407] : memref<2x128x64xf32, #tpu.memory_space<vmem>> -> memref<1x128x64xf32, #tpu.memory_space<vmem>>
        %parallel_loop3A_409 = tpu.memref_squeeze %parallel_loop3A_408 : memref<1x128x64xf32, #tpu.memory_space<vmem>> -> memref<128x64xf32, #tpu.memory_space<vmem>>
        %parallel_loop3A_410 = arith.index_cast %parallel_loop3A_347 : i32 to index
        %parallel_loop3A_411 = arith.constant 32 : index
        %parallel_loop3A_412 = tpu.vector_load %parallel_loop3A_409[%parallel_loop3A_410, %parallel_loop3A_411] {strides = array<i32>} : memref<128x64xf32, #tpu.memory_space<vmem>>, vector<16xf32>,
        %parallel_loop3A_413 = arith.constant 0 : i32
        %parallel_loop3A_414 = arith.constant 0 : i32
        %parallel_loop3A_415 = tpu.memref_slice %arg6[%parallel_loop3A_338, %parallel_loop3A_413, %parallel_loop3A_414] : memref<2x128x64xf32, #tpu.memory_space<vmem>> -> memref<1x128x64xf32, #tpu.memory_space<vmem>>
        %parallel_loop3A_416 = tpu.memref_squeeze %parallel_loop3A_415 : memref<1x128x64xf32, #tpu.memory_space<vmem>> -> memref<128x64xf32, #tpu.memory_space<vmem>>
        %parallel_loop3A_417 = arith.index_cast %parallel_loop3A_347 : i32 to index
        %parallel_loop3A_418 = arith.constant 48 : index
        %parallel_loop3A_419 = tpu.vector_load %parallel_loop3A_416[%parallel_loop3A_417, %parallel_loop3A_418] {strides = array<i32>} : memref<128x64xf32, #tpu.memory_space<vmem>>, vector<16xf32>,
        %parallel_loop3A_420 = arith.constant 1 : i32
        %parallel_loop3A_421 = arith.constant 0 : i32
        %parallel_loop3A_422 = arith.constant 0 : i32
        %parallel_loop3A_423 = arith.constant 0 : i32
        %parallel_loop3A_424 = tpu.memref_slice %arg7[%parallel_loop3A_420, %parallel_loop3A_371, %parallel_loop3A_421, %parallel_loop3A_422, %parallel_loop3A_423] : memref<2x4x8x8x33xf32, #tpu.memory_space<vmem>> -> memref<1x1x8x8x33xf32, #tpu.memory_space<vmem>>
        %parallel_loop3A_425 = tpu.memref_squeeze %parallel_loop3A_424 : memref<1x1x8x8x33xf32, #tpu.memory_space<vmem>> -> memref<8x8x33xf32, #tpu.memory_space<vmem>>
        tpu.vector_store_idx %parallel_loop3A_425[%select_n3A_66, %select_n3A_91, %parallel_loop3A_391], %parallel_loop3A_398 : memref<8x8x33xf32, #tpu.memory_space<vmem>>[vector<16xi32>, vector<16xi32>, vector<16xi32>], vector<16xf32>,
        %parallel_loop3A_426 = arith.constant 1 : i32
        %parallel_loop3A_427 = arith.constant 0 : i32
        %parallel_loop3A_428 = arith.constant 0 : i32
        %parallel_loop3A_429 = arith.constant 0 : i32
        %parallel_loop3A_430 = tpu.memref_slice %arg7[%parallel_loop3A_426, %parallel_loop3A_371, %parallel_loop3A_427, %parallel_loop3A_428, %parallel_loop3A_429] : memref<2x4x8x8x33xf32, #tpu.memory_space<vmem>> -> memref<1x1x8x8x33xf32, #tpu.memory_space<vmem>>
        %parallel_loop3A_431 = tpu.memref_squeeze %parallel_loop3A_430 : memref<1x1x8x8x33xf32, #tpu.memory_space<vmem>> -> memref<8x8x33xf32, #tpu.memory_space<vmem>>
        tpu.vector_store_idx %parallel_loop3A_431[%select_n3A_125, %select_n3A_150, %parallel_loop3A_391], %parallel_loop3A_405 : memref<8x8x33xf32, #tpu.memory_space<vmem>>[vector<16xi32>, vector<16xi32>, vector<16xi32>], vector<16xf32>,
        %parallel_loop3A_432 = arith.constant 1 : i32
        %parallel_loop3A_433 = arith.constant 0 : i32
        %parallel_loop3A_434 = arith.constant 0 : i32
        %parallel_loop3A_435 = arith.constant 0 : i32
        %parallel_loop3A_436 = tpu.memref_slice %arg7[%parallel_loop3A_432, %parallel_loop3A_371, %parallel_loop3A_433, %parallel_loop3A_434, %parallel_loop3A_435] : memref<2x4x8x8x33xf32, #tpu.memory_space<vmem>> -> memref<1x1x8x8x33xf32, #tpu.memory_space<vmem>>
        %parallel_loop3A_437 = tpu.memref_squeeze %parallel_loop3A_436 : memref<1x1x8x8x33xf32, #tpu.memory_space<vmem>> -> memref<8x8x33xf32, #tpu.memory_space<vmem>>
        tpu.vector_store_idx %parallel_loop3A_437[%select_n3A_184, %select_n3A_209, %parallel_loop3A_391], %parallel_loop3A_412 : memref<8x8x33xf32, #tpu.memory_space<vmem>>[vector<16xi32>, vector<16xi32>, vector<16xi32>], vector<16xf32>,
        %parallel_loop3A_438 = arith.constant 1 : i32
        %parallel_loop3A_439 = arith.constant 0 : i32
        %parallel_loop3A_440 = arith.constant 0 : i32
        %parallel_loop3A_441 = arith.constant 0 : i32
        %parallel_loop3A_442 = tpu.memref_slice %arg7[%parallel_loop3A_438, %parallel_loop3A_371, %parallel_loop3A_439, %parallel_loop3A_440, %parallel_loop3A_441] : memref<2x4x8x8x33xf32, #tpu.memory_space<vmem>> -> memref<1x1x8x8x33xf32, #tpu.memory_space<vmem>>
        %parallel_loop3A_443 = tpu.memref_squeeze %parallel_loop3A_442 : memref<1x1x8x8x33xf32, #tpu.memory_space<vmem>> -> memref<8x8x33xf32, #tpu.memory_space<vmem>>
        tpu.vector_store_idx %parallel_loop3A_443[%select_n3A_243, %select_n3A_268, %parallel_loop3A_391], %parallel_loop3A_419 : memref<8x8x33xf32, #tpu.memory_space<vmem>>[vector<16xi32>, vector<16xi32>, vector<16xi32>], vector<16xf32>,
      } {sc.loop_unroll_factor = 4 : i64, sc.parallel_access}
      %lt3A_339 = arith.constant 24 : i32
      %lt3A_340 = arith.cmpi slt, %scan3A_297, %lt3A_339 : i32
      %convert_element_type3A_341 = arith.extui %lt3A_340 : i1 to i32
      %cond3A_342 = arith.constant 0 : i32
      %cond3A_343 = arith.cmpi ne, %convert_element_type3A_341, %cond3A_342 : i32
      scf.if %cond3A_343 {
        %add3A_347 = arith.constant 2 : i32
        %add3A_348 = arith.addi %add3A_322, %add3A_347 : i32
        %dma_start3A_349 = arith.constant 1 : i32
        %dma_start3A_350 = arith.constant 0 : i32
        %dma_start3A_351 = arith.constant 0 : i32
        %dma_start3A_352 = tpu.memref_slice %arg6[%dma_start3A_349, %dma_start3A_350, %dma_start3A_351] : memref<2x128x64xf32, #tpu.memory_space<vmem>> -> memref<1x128x64xf32, #tpu.memory_space<vmem>>
        %dma_start3A_353 = tpu.memref_squeeze %dma_start3A_352 : memref<1x128x64xf32, #tpu.memory_space<vmem>> -> memref<128x64xf32, #tpu.memory_space<vmem>>
        %dma_start3A_354 = arith.constant 0 : i32
        %dma_start3A_355 = tpu.memref_slice %arg5[%add3A_348, %dma_start3A_354] : memref<50x128xi32, #tpu.memory_space<vmem>> -> memref<1x128xi32, #tpu.memory_space<vmem>>
        %dma_start3A_356 = tpu.memref_squeeze %dma_start3A_355 : memref<1x128xi32, #tpu.memory_space<vmem>> -> memref<128xi32, #tpu.memory_space<vmem>>
        %dma_start3A_357 = arith.constant 0 : i32
        %dma_start3A_358 = arith.constant 0 : i32
        %dma_start3A_359 = tpu.memref_slice %arg3[%dma_start3A_357, %dma_start3A_358] : memref<200000x64xf32, #tpu.memory_space<hbm>> -> memref<200000x64xf32, #tpu.memory_space<hbm>>
        tpu.enqueue_indirect_dma source(%dma_start3A_359 : memref<200000x64xf32, #tpu.memory_space<hbm>>) target(%dma_start3A_353 : memref<128x64xf32, #tpu.memory_space<vmem>>) offsets(%dma_start3A_356 : memref<128xi32, #tpu.memory_space<vmem>>) semaphore(%arg9 : memref<!tpu.dma_semaphore, #tpu.memory_space<semaphore_mem>>)
      } else {
      }
      %mul3A_344 = arith.constant 4 : i32
      %mul3A_345 = arith.muli %mul3A_344, %add3A_322 : i32
      %run_scoped3A_346 = arith.constant 1 : i32
      "tpu.region"() ({
        %run_scoped3A_347 = tpu.sem_alloc : memref<!tpu.dma_semaphore, #tpu.memory_space<semaphore_mem>>
        %dma_start3A_348 = arith.constant 0 : i32
        %dma_start3A_349 = arith.constant 0 : i32
        %dma_start3A_350 = arith.constant 0 : i32
        %dma_start3A_351 = arith.constant 0 : i32
        %dma_start3A_352 = tpu.memref_slice %arg7[%run_scoped3A_346, %dma_start3A_348, %dma_start3A_349, %dma_start3A_350, %dma_start3A_351] : memref<2x4x8x8x33xf32, #tpu.memory_space<vmem>> -> memref<1x4x8x8x32xf32, #tpu.memory_space<vmem>>
        %dma_start3A_353 = tpu.memref_squeeze %dma_start3A_352 : memref<1x4x8x8x32xf32, #tpu.memory_space<vmem>> -> memref<4x8x8x32xf32, #tpu.memory_space<vmem>>
        %dma_start3A_354 = arith.constant 0 : i32
        %dma_start3A_355 = arith.constant 0 : i32
        %dma_start3A_356 = tpu.memref_slice %arg4[%mul3A_345, %dma_start3A_354, %select_n3A, %dma_start3A_355, %mul3A_32] : memref<200x8x8x8x128xf32, #tpu.memory_space<hbm>> -> memref<4x8x1x8x32xf32, #tpu.memory_space<hbm>>
        %dma_start3A_357 = tpu.memref_squeeze %dma_start3A_356 : memref<4x8x1x8x32xf32, #tpu.memory_space<hbm>> -> memref<4x8x8x32xf32, #tpu.memory_space<hbm>>
        %dma_start3A_358 = arith.constant 0 : i32
        %dma_start3A_359 = arith.constant 0 : i32
        %dma_start3A_360 = tpu.memref_slice %arg4[%mul3A_345, %dma_start3A_358, %select_n3A, %dma_start3A_359, %mul3A_32] : memref<200x8x8x8x128xf32, #tpu.memory_space<hbm>> -> memref<4x8x1x8x32xf32, #tpu.memory_space<hbm>>
        %dma_start3A_361 = tpu.memref_squeeze %dma_start3A_360 : memref<4x8x1x8x32xf32, #tpu.memory_space<hbm>> -> memref<4x8x8x32xf32, #tpu.memory_space<hbm>>
        %dma_start3A_362 = arith.constant 0 : i32
        %dma_start3A_363 = arith.constant 0 : i32
        %dma_start3A_364 = arith.constant 0 : i32
        %dma_start3A_365 = arith.constant 0 : i32
        %dma_start3A_366 = tpu.memref_slice %arg7[%run_scoped3A_346, %dma_start3A_362, %dma_start3A_363, %dma_start3A_364, %dma_start3A_365] : memref<2x4x8x8x33xf32, #tpu.memory_space<vmem>> -> memref<1x4x8x8x32xf32, #tpu.memory_space<vmem>>
        %dma_start3A_367 = tpu.memref_squeeze %dma_start3A_366 : memref<1x4x8x8x32xf32, #tpu.memory_space<vmem>> -> memref<4x8x8x32xf32, #tpu.memory_space<vmem>>
        tpu.enqueue_dma source(%dma_start3A_367 : memref<4x8x8x32xf32, #tpu.memory_space<vmem>>) target(%dma_start3A_361 : memref<4x8x8x32xf32, #tpu.memory_space<hbm>>) target_semaphore(%run_scoped3A_347 : memref<!tpu.dma_semaphore, #tpu.memory_space<semaphore_mem>>)
        %dma_wait3A_368 = arith.constant 0 : i32
        %dma_wait3A_369 = arith.constant 0 : i32
        %dma_wait3A_370 = arith.constant 0 : i32
        %dma_wait3A_371 = arith.constant 0 : i32
        %dma_wait3A_372 = tpu.memref_slice %arg7[%run_scoped3A_346, %dma_wait3A_368, %dma_wait3A_369, %dma_wait3A_370, %dma_wait3A_371] : memref<2x4x8x8x33xf32, #tpu.memory_space<vmem>> -> memref<1x4x8x8x32xf32, #tpu.memory_space<vmem>>
        %dma_wait3A_373 = tpu.memref_squeeze %dma_wait3A_372 : memref<1x4x8x8x32xf32, #tpu.memory_space<vmem>> -> memref<4x8x8x32xf32, #tpu.memory_space<vmem>>
        %dma_wait3A_374 = arith.constant 0 : i32
        %dma_wait3A_375 = arith.constant 0 : i32
        %dma_wait3A_376 = tpu.memref_slice %arg4[%mul3A_345, %dma_wait3A_374, %select_n3A, %dma_wait3A_375, %mul3A_32] : memref<200x8x8x8x128xf32, #tpu.memory_space<hbm>> -> memref<4x8x1x8x32xf32, #tpu.memory_space<hbm>>
        %dma_wait3A_377 = tpu.memref_squeeze %dma_wait3A_376 : memref<4x8x1x8x32xf32, #tpu.memory_space<hbm>> -> memref<4x8x8x32xf32, #tpu.memory_space<hbm>>
        %dma_wait3A_378 = arith.constant 0 : i32
        %dma_wait3A_379 = arith.constant 0 : i32
        %dma_wait3A_380 = tpu.memref_slice %arg4[%mul3A_345, %dma_wait3A_378, %select_n3A, %dma_wait3A_379, %mul3A_32] : memref<200x8x8x8x128xf32, #tpu.memory_space<hbm>> -> memref<4x8x1x8x32xf32, #tpu.memory_space<hbm>>
        %dma_wait3A_381 = tpu.memref_squeeze %dma_wait3A_380 : memref<4x8x1x8x32xf32, #tpu.memory_space<hbm>> -> memref<4x8x8x32xf32, #tpu.memory_space<hbm>>
        %dma_wait3A_382 = arith.constant 0 : i32
        %dma_wait3A_383 = arith.constant 0 : i32
        %dma_wait3A_384 = arith.constant 0 : i32
        %dma_wait3A_385 = arith.constant 0 : i32
        %dma_wait3A_386 = tpu.memref_slice %arg7[%run_scoped3A_346, %dma_wait3A_382, %dma_wait3A_383, %dma_wait3A_384, %dma_wait3A_385] : memref<2x4x8x8x33xf32, #tpu.memory_space<vmem>> -> memref<1x4x8x8x32xf32, #tpu.memory_space<vmem>>
        %dma_wait3A_387 = tpu.memref_squeeze %dma_wait3A_386 : memref<1x4x8x8x32xf32, #tpu.memory_space<vmem>> -> memref<4x8x8x32xf32, #tpu.memory_space<vmem>>
        tpu.wait_dma2 semaphore(%run_scoped3A_347 : memref<!tpu.dma_semaphore, #tpu.memory_space<semaphore_mem>>) src(%dma_wait3A_387 : memref<4x8x8x32xf32, #tpu.memory_space<vmem>>) dst(%dma_wait3A_381 : memref<4x8x8x32xf32, #tpu.memory_space<hbm>>)
        tpu.yield
      }) : () -> ()
    }
    %scan3A_296 = arith.constant 25 : i32
    return
  }
}

module attributes {stable_mosaic.version = 14 : i64} {
  func.func @_bias_body(%arg0: i32, %arg1: i32, %arg2: memref<8x1024xi32, #tpu.memory_space<vmem>>, %arg3: memref<200x1024xi32, #tpu.memory_space<vmem>>, %arg4: memref<8x200x1024xf32, #tpu.memory_space<vmem>>) attributes {dimension_semantics = [#tpu.dimension_semantics<arbitrary>, #tpu.dimension_semantics<arbitrary>], iteration_bounds = array<i64: 25, 1>, scalar_prefetch = 0 : i64, scratch_operands = 0 : i64, tpu.core_type = #tpu.core_type<tc>, window_params = [{transform_indices = @transform_0, window_bounds = array<i64: 8, 1024>}, {transform_indices = @transform_1, window_bounds = array<i64: 200, 1024>}, {transform_indices = @transform_2, window_bounds = array<i64: 8, 200, 1024>}]} {
    %get3A = arith.constant 0 : index
    %get3A_0 = arith.constant 0 : index
    %get3A_1 = vector.load %arg2[%get3A, %get3A_0] : memref<8x1024xi32, #tpu.memory_space<vmem>>, vector<8x1024xi32>
    %broadcast_in_dim3A = vector.shape_cast %get3A_1 : vector<8x1024xi32> to vector<8x1x1024xi32>
    %get3A_2 = arith.constant 0 : index
    %get3A_3 = arith.constant 0 : index
    %get3A_4 = vector.load %arg3[%get3A_2, %get3A_3] : memref<200x1024xi32, #tpu.memory_space<vmem>>, vector<200x1024xi32>
    %broadcast_in_dim3A_5 = vector.shape_cast %get3A_4 : vector<200x1024xi32> to vector<1x200x1024xi32>
    %min3A = vector.broadcast %broadcast_in_dim3A : vector<8x1x1024xi32> to vector<8x200x1024xi32>
    %min3A_6 = vector.broadcast %broadcast_in_dim3A_5 : vector<1x200x1024xi32> to vector<8x200x1024xi32>
    %min3A_7 = arith.minsi %min3A, %min3A_6 : vector<8x200x1024xi32>
    %max3A = vector.broadcast %broadcast_in_dim3A : vector<8x1x1024xi32> to vector<8x200x1024xi32>
    %max3A_8 = vector.broadcast %broadcast_in_dim3A_5 : vector<1x200x1024xi32> to vector<8x200x1024xi32>
    %max3A_9 = arith.maxsi %max3A, %max3A_8 : vector<8x200x1024xi32>
    %sub3A = arith.subi %min3A_7, %max3A_9 : vector<8x200x1024xi32>
    %convert_element_type3A = arith.sitofp %sub3A : vector<8x200x1024xi32> to vector<8x200x1024xf32>
    %swap3A = arith.constant 0 : index
    %swap3A_10 = arith.constant 0 : index
    %swap3A_11 = arith.constant 0 : index
    %swap3A_12 = vector.load %arg4[%swap3A, %swap3A_10, %swap3A_11] : memref<8x200x1024xf32, #tpu.memory_space<vmem>>, vector<8x200x1024xf32>
    tpu.vector_store %arg4[%swap3A, %swap3A_10, %swap3A_11], %convert_element_type3A {strides = array<i32>} : memref<8x200x1024xf32, #tpu.memory_space<vmem>>, vector<8x200x1024xf32>,
    return
  }
  func.func @transform_0(%arg0: i32, %arg1: i32) -> (i32, i32) {
    %c0_i32 = arith.constant 0 : i32
    return %arg0, %arg1 : i32, i32
  }
  func.func @transform_1(%arg0: i32, %arg1: i32) -> (i32, i32) {
    %c0_i32 = arith.constant 0 : i32
    %c0_i32_0 = arith.constant 0 : i32
    return %c0_i32, %arg1 : i32, i32
  }
  func.func @transform_2(%arg0: i32, %arg1: i32) -> (i32, i32, i32) {
    %c0_i32 = arith.constant 0 : i32
    %c0_i32_0 = arith.constant 0 : i32
    return %arg0, %c0_i32, %arg1 : i32, i32, i32
  }
}

</mosaic_0001>

<sc_bundles>
// kernel: kernel.4.cloned.1.call-start
scs
__scs_entry_jumppad:
0x0: {  	(pc) =	sbr.rel $0x88, $3  }
0x1: {  	(tag) =	ssettag $0x0;
	lr =	simm.s32 $0x1  }
0x2: {  	[smem:$0x3F9F] =	sst lr;
	_ =	strace $0xD0000000  }
0x3: {  	_ = 	snop  }
0x4: {  	_ = 	snop  }
0x5: {  	_ = 	snop  }
0x6: {  	_ = 	snop  }
0x7: {  	_ = 	snop  }
__scs_overlays_trampoline_lowered:
0x8: {  	[smem:$0x3FAE] =	sst s0  }
0x9: {  	[smem:$0x3FAF] =	sst s1  }
0xa: {  	[smem:$0x3FB0] =	sst s2  }
0xb: {  	[smem:$0x3FB1] =	sst s3  }
0xc: {  	[smem:$0x3FB2] =	sst s4  }
0xd: {  	[smem:$0x3FB3] =	sst s5  }
0xe: {  	[smem:$0x3FB4] =	sst s6  }
0xf: {  	[smem:$0x3FB5] =	sst s7  }
0x10: {  	[smem:$0x3FB6] =	sst s8  }
0x11: {  	[smem:$0x3FB7] =	sst s9;
	s0 =	simm.s32 @!p0 $0x0  }
0x12: {  	s1 =	sld [smem:$0x3F9D];
	s0 =	simm.s32 @p0 $0x1  }
0x13: {  	[smem:$0x3FB8] =	sst s0;
	s0 =	simm.s32 @!p1 $0x0  }
0x14: {  	s2 =	sld [smem:$0x3F9C];
	s0 =	simm.s32 @p1 $0x1  }
0x15: {  	[smem:$0x3FB9] =	sst s0;
	s0 =	simm.s32 @!p2 $0x0  }
0x16: {  	s3 =	sld [smem:$0x3FDB];
	s0 =	simm.s32 @p2 $0x1  }
0x17: {  	s4 =	simm.s32 $0x1BF5;
	[smem:$0x3FBB] =	sst s0  }
0x18: {  	s0 =	sld [smem:$0x3F9E];
	_ =	swait.ge [sflag:s4], $0x0  }
0x19: {  	s7 =	sld [smem:$0x3F9F]  }
0x1a: {  	s8 =	sadd.s32 $0xFFFFE003, lr  }
0x1b: {  	s9 =	sadd.s32 $0xFFFFFEF7, lr;
	s5 =	simm.s32 $0xFFFFFFFF;
	p2 =	slt.u32 s8, $0xFFFFF086  }
0x1c: {  	p1 =	slt.u32 s9, $0xF7A;
	s5 =	simm.s32 @!p2 $0x0  }
0x1d: {  	s5 =	simm.s32 @p1 $0x1;
	p0 =	seq.s32 s7, s2  }
0x1e: {  	s7 =	smul.u32 @!p0 $0xF7A, s2;
	p2 =	seq.s32 @!p0 s5, $0x0  }
0x1f: {  	s9 =	smul.u32 $0xF7A, s1;
	s8 =	simm.s32 @!p0 $0x1BF5;
	p2 =	por !p2, p0  }
0x20: {  	[sflag:s8] =	ssyncset.s32 @!p0 $0xFFFFF086;
	s6 =	sadd.s32 @!p0 s3, s7;
	s7 =	simm.s32 @!p0 $0x108  }
0x21: {  	s3 =	sadd.s32 s3, s9;
	s6 =	sadd.s32 @!p0 $0x88, s6;
	s7 =	simm.s32 @p2 $0x1082  }
0x22: {  	[simem:s7], [sflag:s8] =	dma.local @!p0 [hbm:s6], $0xF7A  }
0x23: {  	s9 =	sor.u32 $0xD0000000, s2;
	s6 =	simm.s32 $0x108;
	_ =	swait.ge @!p0 [sflag:s8], $0x0  }
0x24: {  	s3 =	sadd.s32 $0x88, s3;
	s6 =	simm.s32 @!p1 $0x1082;
	[sflag:s4] =	ssyncset.s32 $0xFFFFF086  }
0x25: {  	[simem:s6], [sflag:s4] =	dma.local [hbm:s3], $0xF7A  }
0x26: {  	[smem:$0x3F9F] =	sst s1;
	(tag) =	ssettag s2;
	_ =	strace s9  }
0x27: {  	s1 =	sld [smem:$0x3FAF]  }
0x28: {  	s2 =	sld [smem:$0x3FB0]  }
0x29: {  	s4 =	sld [smem:$0x3FB2]  }
0x2a: {  	p0 =	seq.s32 s5, $0x0;
	s5 =	sld [smem:$0x3FB3]  }
0x2b: {  	s6 =	sld [smem:$0x3FB4]  }
0x2c: {  	s7 =	sld [smem:$0x3FB5]  }
0x2d: {  	s3 =	simm.s32 $0x108;
	s8 =	sld [smem:$0x3FB6]  }
0x2e: {  	s3 =	simm.s32 @!p0 $0x1082;
	s9 =	sld [smem:$0x3FB7]  }
0x2f: {  	lr =	sadd.s32 s0, s3;
	s0 =	sld [smem:$0x3FAE]  }
0x30: {  	s3 =	sld [smem:$0x3FB1]  }
0x31: {  	[smem:$0x3FBA] =	sst s10  }
0x32: {  	s10 =	sld [smem:$0x3FB8];
	_ =	sdelay $0x3  }
0x33: {  	p0 =	seq.s32 s10, $0x1;
	s10 =	sld [smem:$0x3FBA];
	_ =	sdelay $0x3  }
0x34: {  	[smem:$0x3FBA] =	sst s10  }
0x35: {  	s10 =	sld [smem:$0x3FB9];
	_ =	sdelay $0x3  }
0x36: {  	p1 =	seq.s32 s10, $0x1;
	s10 =	sld [smem:$0x3FBA];
	_ =	sdelay $0x3  }
0x37: {  	[smem:$0x3FBA] =	sst s10  }
0x38: {  	s10 =	sld [smem:$0x3FBB]  }
0x39: {  	_ = 	snop;
	(pc) =	sbr.ind lr, $3  }
0x3a: {  	_ = 	snop  }
0x3b: {  	_ = 	snop  }
0x3c: {  	p2 =	seq.s32 s10, $0x1;
	s10 =	sld [smem:$0x3FBA]  }
0x3d: {  	_ =	shalt  }
0x3e: {  	_ =	shalt  }
0x3f: {  	_ =	shalt  }
0x40: {  	_ =	shalt  }
0x41: {  	_ =	shalt  }
0x42: {  	_ =	shalt  }
0x43: {  	_ =	shalt  }
0x44: {  	_ =	shalt  }
0x45: {  	_ =	shalt  }
0x46: {  	_ =	shalt  }
0x47: {  	_ =	shalt  }
0x48: {  	_ =	shalt  }
0x49: {  	_ =	shalt  }
0x4a: {  	_ =	shalt  }
0x4b: {  	_ =	shalt  }
0x4c: {  	_ =	shalt  }
0x4d: {  	_ =	shalt  }
0x4e: {  	_ =	shalt  }
0x4f: {  	_ =	shalt  }
0x50: {  	_ =	shalt  }
0x51: {  	_ =	shalt  }
0x52: {  	_ =	shalt  }
0x53: {  	_ =	shalt  }
0x54: {  	_ =	shalt  }
0x55: {  	_ =	shalt  }
0x56: {  	_ =	shalt  }
0x57: {  	_ =	shalt  }
0x58: {  	_ =	shalt  }
0x59: {  	_ =	shalt  }
0x5a: {  	_ =	shalt  }
0x5b: {  	_ =	shalt  }
0x5c: {  	_ =	shalt  }
0x5d: {  	_ =	shalt  }
0x5e: {  	_ =	shalt  }
0x5f: {  	_ =	shalt  }
0x60: {  	_ =	shalt  }
0x61: {  	_ =	shalt  }
0x62: {  	_ =	shalt  }
0x63: {  	_ =	shalt  }
0x64: {  	_ =	shalt  }
0x65: {  	_ =	shalt  }
0x66: {  	_ =	shalt  }
0x67: {  	_ =	shalt  }
0x68: {  	_ =	shalt  }
0x69: {  	_ =	shalt  }
0x6a: {  	_ =	shalt  }
0x6b: {  	_ =	shalt  }
0x6c: {  	_ =	shalt  }
0x6d: {  	_ =	shalt  }
0x6e: {  	_ =	shalt  }
0x6f: {  	_ =	shalt  }
0x70: {  	_ =	shalt  }
0x71: {  	_ =	shalt  }
0x72: {  	_ =	shalt  }
0x73: {  	_ =	shalt  }
0x74: {  	_ =	shalt  }
0x75: {  	_ =	shalt  }
0x76: {  	_ =	shalt  }
0x77: {  	_ =	shalt  }
0x78: {  	_ =	shalt  }
0x79: {  	_ =	shalt  }
0x7a: {  	_ =	shalt  }
0x7b: {  	_ =	shalt  }
0x7c: {  	_ =	shalt  }
0x7d: {  	_ =	shalt  }
0x7e: {  	_ =	shalt  }
0x7f: {  	_ =	shalt  }
0x80: {  	_ =	shalt  }
0x81: {  	_ =	shalt  }
0x82: {  	_ =	shalt  }
0x83: {  	_ =	shalt  }
0x84: {  	_ =	shalt  }
0x85: {  	_ =	shalt  }
0x86: {  	_ =	shalt  }
0x87: {  	_ =	shalt  }
.Lfunc_end0:
.L_simem_size_0:
called_computation_lowered:
.L_overlay_start_0:
0x88: {  	s2 =	sld [smem:$0x3FD9]  }
0x89: {  	s3 =	sld [smem:$0x3FFE];
	_ =	sdelay $0x1  }
0x8a: {  	s1 =	srdreg.scid  }
0x8b: {  	s0 =	sand.u32 $0x1, s1  }
0x8c: {  	s14 =	sshll.u32 s0, $0xA;
	s2 =	sadd.s32 s3, s2  }
0x8d: {  	s2 =	sadd.s32 s2, s14  }
0x8e: {  	[smem:$0x3FC6] =	sst s2  }
0x8f: {  	_ = 	snop  }
0x90: {  	s2 =	sld [smem:$0x3FD0];
	_ =	sdelay $0x2  }
0x91: {  	s15 =	simm.s32 $0xA;
	s4 =	simm.s32 $0x10  }
0x92: {  	[smem:s4], [sflag:s15] =	dma.local [hbm:s2], $0x1  }
0x93: {  	_ =	swait.eq [sflag:s15], $0x1  }
0x94: {  	[sflag:s15] =	ssyncset.done $0x0  }
0x95: {  	[sflag:s15] =	ssyncadd.s32 $0xFFFFFFFF  }
0x96: {  	s16 =	sld [smem:$0x10];
	(tm) =	ssettm $0x1  }
0x97: {  	s17 =	sld [smem:$0x3FFB];
	_ =	sdelay $0x3  }
0x98: {  	_ =	strace s17  }
0x99: {  	s3 =	sld [smem:$0x3FFC];
	_ =	sdelay $0x3  }
0x9a: {  	_ =	strace s3  }
0x9b: {  	s3 =	sld [smem:$0x3FFD];
	_ =	sdelay $0x3  }
0x9c: {  	_ =	strace s3  }
0x9d: {  	_ =	strace $0x8FFFFFFF  }
0x9e: {  	s18 =	sld [smem:$0x3FDB];
	_ =	sdelay $0x1  }
0x9f: {  	s19 =	simm.s32 $_scs_section_size  }
0xa0: {  	s5 =	simm.s32 $_size__tile_overlayer_lowered;
	s6 =	simm.s32 $_tile_overlayer_lowered  }
0xa1: {  	s22 =	simm.s32 $0x1BFF;
	s21 =	sshll.u32 s6, $0x1;
	s3 =	sadd.s32 s19, s18  }
0xa2: {  	s7 =	simm.s32 $0x0;
	s20 =	sshll.u32 s5, $0x1;
	s5 =	sadd.s32 s21, s3  }
0xa3: {  	[timem:s7], [sflag:s22] =	dma.local [hbm:s5], s20  }
0xa4: {  	_ =	swait.ge [sflag:s22], s20  }
0xa5: {  	s4 =	ssub.s32 $0x0, s20;
	[sflag:s22] =	ssyncset.done $0x0  }
0xa6: {  	[sflag:s22] =	ssyncadd.s32 s4;
	_ =	sdelay $0x1  }
0xa7: {  	s23 =	simm.s32 $0x1B8B  }
0xa8: {  	_ =	swait.ge [sflag:s23], $0x1  }
0xa9: {  	[sflag:s23] =	ssyncset.done $0x0  }
0xaa: {  	s25 =	simm.s32 $0x1B8E;
	s24 =	sld [smem:$0x3FFE];
	[sflag:s23] =	ssyncadd.s32 $0xFFFFFFFF  }
0xab: {  	s26 =	simm.s32 $execute0_lowered;
	[smem:$0x3FD2] =	sst s25  }
0xac: {  	s5 =	sshll.u32 s26, $0x1;
	_ =	strace $0x80000046;
	[dreg:$0x1] =	wrdreg $0xFFFFFFFF  }
0xad: {  	s28 =	simm.s32 $_size_execute0_lowered;
	s3 =	sadd.s32 s3, s5;
	[dreg:$0x0] =	wrdreg $0x0  }
0xae: {  	s5 =	sshll.u32 s28, $0x1;
	[dreg:$0x2] =	wrdreg s3  }
0xaf: {  	[dreg:$0x3] =	wrdreg s5  }
0xb0: {  	[dreg:$0x4] =	wrdreg $0xC0  }
0xb1: {  	_ =	task [dreg:s7], $0x5FFFF  }
0xb2: {  	[dreg:$0x1] =	wrdreg $0xFFFFFFFF  }
0xb3: {  	[dreg:$0x0] =	wrdreg $0x60  }
0xb4: {  	[dreg:$0x2] =	wrdreg s24  }
0xb5: {  	[dreg:$0x3] =	wrdreg s16  }
0xb6: {  	[dreg:$0x4] =	wrdreg $0x9  }
0xb7: {  	_ =	task.clear_ibuf [dreg:s7], $0x5FFFF;
	_ =	strace $0x90000046  }
0xb8: {  	s29 =	simm.s32 $0x9;
	_ =	strace $0x80000048  }
0xb9: {  	_ =	swait.ge [sflag:s29], $0x1  }
0xba: {  	[sflag:s29] =	ssyncadd.s32 $0xFFFFFFFF  }
0xbb: {  	_ =	strace $0x90000048  }
0xbc: {  	_ =	sfence  }
0xbd: {  	s30 =	sld [smem:$0x0];
	_ =	sdelay $0x2  }
0xbe: {  	s31 =	sshll.u32 s1, $0xD;
	s1 =	sshrl.u32 s1, $0x2  }
0xbf: {  	s3 =	sand.u32 $0x4000, s31;
	s1 =	sadd.s32 s1, s30  }
0xc0: {  	s0 =	sor.u32 s3, s0;
	s1 =	sshll.u32 s1, $0x11  }
0xc1: {  	s0 =	sor.u32 s1, s0  }
0xc2: {  	s0 =	sadd.s32 $0x8F2B, s0  }
0xc3: {  	[sflag:s0] =	ssyncadd.remote.s32 $0x1  }
0xc4: {  	_ =	sfence.sel $0xFFFF  }
0xc5: {  	[dreg:$0x0] =	wrdreg $0xFFFFFFFF;
	(pc) =	sbr.abs _section_cstart, $3  }
0xc6: {  	[dreg:$0x1] =	wrdreg $0xFFFFFFFF  }
0xc7: {  	_ =	task.clear_ibuf [dreg:s7], $0x2FFFF;
	_ =	strace $0x9FFFFFFF  }
0xc8: {  	(tm) =	ssettm $0x7FFFFFFF  }
0xc9: {  	_ =	shalt  }
tec
execute0_lowered:
.L_overlay_start_1:
0x0: {  	(tag) =	ssettag $0x1  }
0x1: {  	s1 =	srdreg.scid;
	s4 =	rddreg [dreg:$0x0]  }
0x2: {  	s0 =	stileid.u32;
	s2 =	rddreg [dreg:$0x1]  }
0x3: {  	s3 =	simm.s32 $0x0;
	s10 =	simm.s32 $0x80;
	s11 =	simm.s32 $0x1900  }
0x4: {  	s12 =	simm.s32 $0x3900;
	s13 =	simm.s32 $0x1;
	s14 =	simm.s32 $0x2  }
0x5: {  	s15 =	simm.s32 $0x0;
	s5 =	sand.u32 $0x1, s1;
	s1 =	rddreg [dreg:$0x2]  }
0x6: {  	s30 =	sshll.u32 s0, $0x1;
	[smem:$0x7FF] =	sst s3;
	s8 =	sshll.u32 s0, $0x6  }
0x7: {  	s6 =	sor.u32 s5, s30;
	_ =	strace $0x80000047;
	s5 =	ssub.s32 $0x2, s5  }
0x8: {  	v0 =	vlaneseq.u32;
	s7 =	smul.u32 $0x320, s6;
	s6 =	sshll.u32 s6, $0x2;
	s9 =	sshrl.u32 s5, $0x1  }
0x9: {  	v0 =	vmul.u32 $0x28, v0;
	s6 =	sor.u32 s6, s8;
	s31 =	ssub.s32 s5, s9;
	s9 =	simm.s32 $0x3  }
0xa: {  	s7 =	sadd.s32 s7, s4;
	s4 =	sadd.s32 $0x6A00, s4;
	s6 =	sand.u32 $0x38C, s6  }
0xb: {  	v1 =	vadd.s32 $0x280, v0;
	v2 =	vadd.s32 $0x500, v0;
	v3 =	vadd.s32 $0x780, v0;
	s8 =	smax.u32 s31, $0x1;
	s5 =	sadd.s32 $0x600, s7;
	s7 =	sadd.s32 $0x8000, s2  }
.LBB2_1:
0xc: {  	[tilespmem:s3], [sflag:$0x3] =	stream.linear.gather [hbm4b:s5+s3], $0x1900, $0x38;
	[tilespmem:$0xA900] =	vst v63  }
0xd: {  	_ =	swait.ge [sflag:s9], $0x1900  }
0xe: {  	[sflag:s9] =	ssyncset.done $0x0  }
0xf: {  	[sflag:s9] =	ssyncadd.s32 $0xFFFFE700  }
0x10: {  	[tilespmem:s11], [sflag:$0x1] =	stream.indirect.gather [hbm4b:s4+s10], $0x40, s3, s10, $0xb8;
	[tilespmem:$0xA900] =	vst v63  }
0x11: {  	s16 =	simm.s32 $0x0  }
0x12: {  	[tilespmem:s12], [sflag:$0x2] =	stream.indirect.gather [hbm4b:s4+s10], $0x40, s10, s10, $0xb8;
	[tilespmem:$0xA900] =	vst v63  }
.LBB2_2:
0x13: {  	_ =	swait.ge [sflag:s13], $0x2000;
	s17 =	simm.s32 $0x3  }
0x14: {  	[sflag:s13] =	ssyncset.done $0x0;
	v4 =	vmov s17  }
0x15: {  	s18 =	simm.s32 $0x1980;
	s26 =	simm.s32 $0x0;
	[sflag:s13] =	ssyncadd.s32 $0xFFFFE000;
	v4 =	vand.u32 $0x1F, v4  }
0x16: {  	v9 =	vmov s26;
	v5 =	vld [tilespmem:s18+$0x40];
	v6 =	vadd.s32 v0, v4  }
0x17: {  	s19 =	simm.s32 $0x0;
	v9 =	vand.u32 $0x1C, v9;
	v7 =	vld [tilespmem:s18+$0x50];
	v8 =	vadd.s32 v1, v4  }
0x18: {  	s28 =	smul.u32 $0x2800, s19;
	v13 =	vld [tilespmem:s18+$0xFFFFFF80];
	v14 =	vadd.s32 v0, v9  }
0x19: {  	v10 =	vld [tilespmem:s18+$0x60];
	v11 =	vadd.s32 v2, v4  }
0x1a: {  	v12 =	vld [tilespmem:s18+$0x70];
	v4 =	vadd.s32 v3, v4;
	s17 =	sshra.s32 s28, $0x2  }
0x1b: {  	s29 =	simm.s32 $0x1;
	v15 =	vld [tilespmem:s18+$0xFFFFFF90];
	v16 =	vadd.s32 v1, v9;
	[tilespmem:v6+s17+$0x5900] =	vst.idx.msk $0xffff, v5  }
0x1c: {  	v17 =	vmov s29;
	v5 =	vld [tilespmem:s18+$0xFFFFFFA0];
	v6 =	vadd.s32 v2, v9;
	[tilespmem:v8+s17+$0x5900] =	vst.idx.msk $0xffff, v7  }
0x1d: {  	v7 =	vld [tilespmem:s18+$0xFFFFFFB0];
	v8 =	vadd.s32 v3, v9;
	v9 =	vand.u32 $0x1D, v17;
	[tilespmem:v14+s17+$0x5900] =	vst.idx.msk $0xffff, v13  }
0x1e: {  	[tilespmem:v11+s17+$0x5900] =	vst.idx.msk $0xffff, v10;
	v10 =	vld [tilespmem:s18+$0xFFFFFFC0];
	v11 =	vadd.s32 v0, v9  }
0x1f: {  	s30 =	simm.s32 $0x2;
	v13 =	vadd.s32 v1, v9;
	[tilespmem:v4+s17+$0x5900] =	vst.idx.msk $0xffff, v12;
	v12 =	vld [tilespmem:s18+$0xFFFFFFD0]  }
0x20: {  	[tilespmem:v16+s17+$0x5900] =	vst.idx.msk $0xffff, v15;
	v15 =	vld [tilespmem:s18+$0xFFFFFFE0];
	v62 =	vadd.s32 v2, v9;
	v4 =	vmov s30  }
0x21: {  	v63 =	vld [tilespmem:s18+$0xFFFFFFF0];
	v18 =	vadd.s32 v3, v9;
	[tilespmem:v6+s17+$0x5900] =	vst.idx.msk $0xffff, v5;
	v6 =	vand.u32 $0x1E, v4  }
0x22: {  	[tilespmem:v8+s17+$0x5900] =	vst.idx.msk $0xffff, v7;
	v7 =	vld [tilespmem:s18+$0x0];
	v14 =	vadd.s32 v0, v6  }
0x23: {  	s31 =	simm.s32 $0x7;
	v4 =	vld [tilespmem:s18+$0x10];
	[tilespmem:v11+s17+$0x5900] =	vst.idx.msk $0xffff, v10;
	v11 =	vadd.s32 v1, v6  }
0x24: {  	v5 =	vld [tilespmem:s18+$0x20];
	v8 =	vmov s31;
	v10 =	vadd.s32 v2, v6;
	[tilespmem:v13+s17+$0x5900] =	vst.idx.msk $0xffff, v12  }
0x25: {  	v13 =	vand.u32 $0x1F, v8;
	v8 =	vld [tilespmem:s18+$0x30];
	s18 =	simm.s32 $0x1A80;
	v12 =	vadd.s32 v3, v6;
	[tilespmem:v62+s17+$0x5900] =	vst.idx.msk $0xffff, v15  }
0x26: {  	s20 =	simm.s32 $0x8;
	s19 =	simm.s32 $0x4;
	v6 =	vld [tilespmem:s18+$0x40];
	v9 =	vadd.s32 v0, v13;
	[tilespmem:v18+s17+$0x5900] =	vst.idx.msk $0xffff, v63  }
.LBB2_3:
0x27: {  	p0 =	slt.u32 s20, $0x7C;
	s21 =	sshrl.u32 s19, $0x5;
	v15 =	vld [tilespmem:s18+$0x50];
	v16 =	vadd.s32 v1, v13;
	[tilespmem:v14+s17+$0x5900] =	vst.idx.msk $0xffff, v7  }
0x28: {  	v7 =	vmov s19;
	v17 =	vadd.s32 v2, v13;
	s21 =	smul.u32 $0x2800, s21;
	v14 =	vld [tilespmem:s18+$0x60];
	[tilespmem:v11+s17+$0x5900] =	vst.idx.msk $0xffff, v4  }
0x29: {  	v4 =	vand.u32 $0x1C, v7;
	v11 =	vadd.s32 v3, v13;
	v7 =	vld [tilespmem:s18+$0x70];
	[tilespmem:v10+s17+$0x5900] =	vst.idx.msk $0xffff, v5  }
0x2a: {  	v10 =	vadd.s32 v0, v4;
	v5 =	vld [tilespmem:s18+$0xFFFFFF80];
	[tilespmem:v12+s17+$0x5900] =	vst.idx.msk $0xffff, v8;
	s17 =	sshra.s32 s21, $0x2  }
0x2b: {  	v12 =	vadd.s32 v1, v4;
	s21 =	sadd.s32 $0x1, s19;
	v8 =	vld [tilespmem:s18+$0xFFFFFF90];
	[tilespmem:v9+s17+$0x5900] =	vst.idx.msk $0xffff, v6  }
0x2c: {  	v9 =	vadd.s32 v2, v4;
	v13 =	vmov s21;
	v6 =	vld [tilespmem:s18+$0xFFFFFFA0];
	[tilespmem:v16+s17+$0x5900] =	vst.idx.msk $0xffff, v15  }
0x2d: {  	v4 =	vadd.s32 v3, v4;
	v13 =	vand.u32 $0x1D, v13;
	v15 =	vld [tilespmem:s18+$0xFFFFFFB0];
	[tilespmem:v17+s17+$0x5900] =	vst.idx.msk $0xffff, v14  }
0x2e: {  	v17 =	vadd.s32 v0, v13;
	v16 =	vld [tilespmem:s18+$0xFFFFFFC0];
	[tilespmem:v11+s17+$0x5900] =	vst.idx.msk $0xffff, v7  }
0x2f: {  	s21 =	sadd.s32 $0x2, s19;
	s19 =	smov.u32 s20;
	[tilespmem:v10+s17+$0x5900] =	vst.idx.msk $0xffff, v5;
	v5 =	vld [tilespmem:s18+$0xFFFFFFD0];
	v10 =	vadd.s32 v1, v13  }
0x30: {  	v7 =	vmov s21;
	[tilespmem:v12+s17+$0x5900] =	vst.idx.msk $0xffff, v8;
	v8 =	vld [tilespmem:s18+$0xFFFFFFE0];
	v12 =	vadd.s32 v2, v13  }
0x31: {  	v19 =	vadd.s32 v3, v13;
	[tilespmem:v9+s17+$0x5900] =	vst.idx.msk $0xffff, v6;
	v18 =	vld [tilespmem:s18+$0xFFFFFFF0];
	v6 =	vand.u32 $0x1E, v7  }
.Ltmp0:
0x32: {  	[tilespmem:v4+s17+$0x5900] =	vst.idx.msk $0xffff, v15;
	v7 =	vld [tilespmem:s18+$0x0];
	v14 =	vadd.s32 v0, v6;
	(pc) =	sbr.rel @p0 .LBB2_3-.Ltmp0, $4  }
0x33: {  	s21 =	sadd.s32 $0x3, s20;
	v11 =	vadd.s32 v1, v6;
	[tilespmem:v17+s17+$0x5900] =	vst.idx.msk $0xffff, v16;
	v4 =	vld [tilespmem:s18+$0x10]  }
0x34: {  	v9 =	vmov s21;
	[tilespmem:v10+s17+$0x5900] =	vst.idx.msk $0xffff, v5;
	v5 =	vld [tilespmem:s18+$0x20];
	v10 =	vadd.s32 v2, v6  }
0x35: {  	v13 =	vand.u32 $0x1F, v9;
	[tilespmem:v12+s17+$0x5900] =	vst.idx.msk $0xffff, v8;
	v8 =	vld [tilespmem:s18+$0x30];
	v12 =	vadd.s32 v3, v6;
	s18 =	sadd.s32 $0x100, s18  }
0x36: {  	s20 =	sadd.s32 $0x4, s20;
	v9 =	vadd.s32 v0, v13;
	v6 =	vld [tilespmem:s18+$0x40];
	[tilespmem:v19+s17+$0x5900] =	vst.idx.msk $0xffff, v18  }
0x37: {  	_ =	sdelay $0x3  }
0x38: {  	s20 =	sshrl.u32 s19, $0x5;
	v15 =	vld [tilespmem:s18+$0x50];
	v16 =	vadd.s32 v1, v13;
	[tilespmem:v14+s17+$0x5900] =	vst.idx.msk $0xffff, v7  }
0x39: {  	v39 =	vmov s19;
	v40 =	vld [tilespmem:s18+$0x60];
	v17 =	vadd.s32 v2, v13;
	s20 =	smul.u32 $0x2800, s20;
	[tilespmem:v11+s17+$0x5900] =	vst.idx.msk $0xffff, v4  }
0x3a: {  	v41 =	vld [tilespmem:s18+$0x70];
	v42 =	vadd.s32 v3, v13;
	v4 =	vand.u32 $0x1C, v39;
	[tilespmem:v10+s17+$0x5900] =	vst.idx.msk $0xffff, v5  }
0x3b: {  	v5 =	vld [tilespmem:s18+$0xFFFFFF80];
	v43 =	vadd.s32 v0, v4;
	s20 =	sshra.s32 s20, $0x2;
	[tilespmem:v12+s17+$0x5900] =	vst.idx.msk $0xffff, v8  }
0x3c: {  	v44 =	vld [tilespmem:s18+$0xFFFFFF90];
	s25 =	sadd.s32 $0x1, s19;
	v45 =	vadd.s32 v1, v4;
	[tilespmem:v9+s20+$0x5900] =	vst.idx.msk $0xffff, v6  }
0x3d: {  	v46 =	vld [tilespmem:s18+$0xFFFFFFA0];
	v48 =	vmov s25;
	v47 =	vadd.s32 v2, v4;
	[tilespmem:v16+s20+$0x5900] =	vst.idx.msk $0xffff, v15  }
0x3e: {  	v49 =	vld [tilespmem:s18+$0xFFFFFFB0];
	v4 =	vadd.s32 v3, v4;
	v13 =	vand.u32 $0x1D, v48;
	[tilespmem:v17+s20+$0x5900] =	vst.idx.msk $0xffff, v40  }
0x3f: {  	v50 =	vld [tilespmem:s18+$0xFFFFFFC0];
	v51 =	vadd.s32 v0, v13;
	[tilespmem:v42+s20+$0x5900] =	vst.idx.msk $0xffff, v41  }
0x40: {  	s26 =	sadd.s32 $0x2, s19;
	v52 =	vadd.s32 v1, v13;
	[tilespmem:v43+s20+$0x5900] =	vst.idx.msk $0xffff, v5;
	v5 =	vld [tilespmem:s18+$0xFFFFFFD0]  }
0x41: {  	v53 =	vld [tilespmem:s18+$0xFFFFFFE0];
	v55 =	vmov s26;
	v54 =	vadd.s32 v2, v13;
	[tilespmem:v45+s20+$0x5900] =	vst.idx.msk $0xffff, v44  }
0x42: {  	v56 =	vld [tilespmem:s18+$0xFFFFFFF0];
	v11 =	vand.u32 $0x1E, v55;
	v57 =	vadd.s32 v3, v13;
	[tilespmem:v47+s20+$0x5900] =	vst.idx.msk $0xffff, v46  }
0x43: {  	v58 =	vadd.s32 v0, v11;
	[tilespmem:v4+s20+$0x5900] =	vst.idx.msk $0xffff, v49;
	v4 =	vld [tilespmem:s18+$0x0]  }
0x44: {  	v59 =	vld [tilespmem:s18+$0x10];
	v60 =	vadd.s32 v1, v11;
	[tilespmem:v51+s20+$0x5900] =	vst.idx.msk $0xffff, v50  }
0x45: {  	v61 =	vadd.s32 v2, v11;
	[tilespmem:v52+s20+$0x5900] =	vst.idx.msk $0xffff, v5;
	v5 =	vld [tilespmem:s18+$0x20]  }
0x46: {  	v62 =	vld [tilespmem:s18+$0x30];
	v63 =	vadd.s32 v3, v11;
	[tilespmem:v54+s20+$0x5900] =	vst.idx.msk $0xffff, v53  }
0x47: {  	[tilespmem:v57+s20+$0x5900] =	vst.idx.msk $0xffff, v56  }
0x48: {  	p0 =	seq.s32 s16, $0x18;
	[tilespmem:v58+s20+$0x5900] =	vst.idx.msk $0xffff, v4  }
0x49: {  	s17 =	sshll.u32 @!p0 s16, $0x8;
	[tilespmem:v60+s20+$0x5900] =	vst.idx.msk $0xffff, v59  }
0x4a: {  	s28 =	sshll.u32 s16, $0x10;
	s21 =	simm.s32 @!p0 $0x1900;
	s17 =	sand.u32 @!p0 $0x3FFFFF00, s17;
	[tilespmem:v61+s20+$0x5900] =	vst.idx.msk $0xffff, v5  }
0x4b: {  	s19 =	sadd.s32 @!p0 $0x100, s17;
	s18 =	sor.u32 s6, s28;
	[tilespmem:v63+s20+$0x5900] =	vst.idx.msk $0xffff, v62;
	s20 =	simm.s32 @!p0 $0x80  }
0x4c: {  	[tilespmem:s21], [sflag:$0x1] =	stream.indirect.gather @!p0 [hbm4b:s4+s20], $0x40, s19, s20, $0xb8;
	[tilespmem:$0xA900] =	vst v63  }
0x4d: {  	s29 =	simm.s32 $0x5900;
	s20 =	sadd.s32 s2, s18  }
0x4e: {  	[hbm4b:s20+s3] =	stream.linear.scatter [tilespmem:s29], [sflag:$0x3], $0x20, $0x38;
	[tilespmem:$0xA900] =	vst v63  }
0x4f: {  	s30 =	simm.s32 $0x5928;
	s31 =	sadd.s32 $0x10, s20  }
0x50: {  	[hbm4b:s31+s3] =	stream.linear.scatter [tilespmem:s30], [sflag:$0x3], $0x20, $0x38;
	[tilespmem:$0xA900] =	vst v63  }
0x51: {  	s23 =	simm.s32 $0x5978;
	s21 =	simm.s32 $0x5950;
	s22 =	sadd.s32 $0x20, s20  }
0x52: {  	[hbm4b:s22+s3] =	stream.linear.scatter [tilespmem:s21], [sflag:$0x3], $0x20, $0x38;
	[tilespmem:$0xA900] =	vst v63  }
0x53: {  	s25 =	simm.s32 $0x59A0;
	s28 =	simm.s32 $0x59C8;
	s24 =	sadd.s32 $0x30, s20  }
0x54: {  	[hbm4b:s24+s3] =	stream.linear.scatter [tilespmem:s23], [sflag:$0x3], $0x20, $0x38;
	[tilespmem:$0xA900] =	vst v63  }
0x55: {  	s19 =	simm.s32 $0x140;
	s26 =	sadd.s32 $0x40, s20;
	s29 =	sadd.s32 $0x50, s20  }
0x56: {  	[hbm4b:s26+s3] =	stream.linear.scatter [tilespmem:s25], [sflag:$0x3], $0x20, $0x38;
	[tilespmem:$0xA900] =	vst v63  }
0x57: {  	s30 =	simm.s32 $0x59F0;
	s31 =	sadd.s32 $0x60, s20;
	s21 =	simm.s32 $0xA00  }
0x58: {  	[hbm4b:s29+s3] =	stream.linear.scatter [tilespmem:s28], [sflag:$0x3], $0x20, $0x38;
	[tilespmem:$0xA900] =	vst v63  }
0x59: {  	s22 =	simm.s32 $0x5A18;
	s23 =	sadd.s32 $0x70, s20;
	s20 =	sadd.s32 $0x400, s20  }
0x5a: {  	[hbm4b:s31+s3] =	stream.linear.scatter [tilespmem:s30], [sflag:$0x3], $0x20, $0x38;
	[tilespmem:$0xA900] =	vst v63  }
.LBB2_5:
0x5b: {  	[hbm4b:s23+s3] =	stream.linear.scatter [tilespmem:s22], [sflag:$0x3], $0x20, $0x38;
	[tilespmem:$0xA900] =	vst v63  }
0x5c: {  	s22 =	smov.u32 s19;
	s19 =	smov.u32 s21  }
0x5d: {  	s24 =	sadd.s32 $0x500, s21;
	s19 =	sshra.s32 s19, $0x2;
	s23 =	sadd.s32 $0x5900, s22  }
0x5e: {  	[hbm4b:s20+s3] =	stream.linear.scatter [tilespmem:s23], [sflag:$0x3], $0x20, $0x38;
	[tilespmem:$0xA900] =	vst v63  }
0x5f: {  	p1 =	sne.s32 s21, $0x9B00;
	s21 =	sadd.s32 $0x5928, s22;
	s23 =	sadd.s32 $0x10, s20  }
0x60: {  	[hbm4b:s23+s3] =	stream.linear.scatter [tilespmem:s21], [sflag:$0x3], $0x20, $0x38;
	[tilespmem:$0xA900] =	vst v63  }
0x61: {  	s21 =	sadd.s32 $0x5950, s22;
	s23 =	sadd.s32 $0x20, s20  }
0x62: {  	[hbm4b:s23+s3] =	stream.linear.scatter [tilespmem:s21], [sflag:$0x3], $0x20, $0x38;
	[tilespmem:$0xA900] =	vst v63  }
0x63: {  	s21 =	sadd.s32 $0x5978, s22;
	s23 =	sadd.s32 $0x30, s20  }
0x64: {  	[hbm4b:s23+s3] =	stream.linear.scatter [tilespmem:s21], [sflag:$0x3], $0x20, $0x38;
	[tilespmem:$0xA900] =	vst v63  }
0x65: {  	s21 =	sadd.s32 $0x59A0, s22;
	s23 =	sadd.s32 $0x40, s20  }
0x66: {  	[hbm4b:s23+s3] =	stream.linear.scatter [tilespmem:s21], [sflag:$0x3], $0x20, $0x38;
	[tilespmem:$0xA900] =	vst v63  }
.Ltmp1:
0x67: {  	s21 =	sadd.s32 $0x59C8, s22;
	s23 =	sadd.s32 $0x50, s20;
	(pc) =	sbr.rel @p1 .LBB2_5-.Ltmp1, $4  }
0x68: {  	[hbm4b:s23+s3] =	stream.linear.scatter [tilespmem:s21], [sflag:$0x3], $0x20, $0x38;
	[tilespmem:$0xA900] =	vst v63  }
0x69: {  	s21 =	sadd.s32 $0x59F0, s22;
	s23 =	sadd.s32 $0x60, s20;
	s22 =	sadd.s32 $0x5A18, s22  }
0x6a: {  	[hbm4b:s23+s3] =	stream.linear.scatter [tilespmem:s21], [sflag:$0x3], $0x20, $0x38;
	[tilespmem:$0xA900] =	vst v63  }
0x6b: {  	s23 =	sadd.s32 $0x70, s20;
	s20 =	sadd.s32 $0x400, s20;
	s21 =	smov.u32 s24  }
0x6c: {  	[hbm4b:s23+s3] =	stream.linear.scatter [tilespmem:s22], [sflag:$0x3], $0x20, $0x38;
	[tilespmem:$0xA900] =	vst v63  }
0x6d: {  	s21 =	sadd.s32 $0x5900, s19  }
0x6e: {  	[hbm4b:s20+s3] =	stream.linear.scatter [tilespmem:s21], [sflag:$0x3], $0x20, $0x38;
	[tilespmem:$0xA900] =	vst v63  }
0x6f: {  	s28 =	sadd.s32 $0x5928, s19;
	s29 =	sadd.s32 $0x10, s20  }
0x70: {  	[hbm4b:s29+s3] =	stream.linear.scatter [tilespmem:s28], [sflag:$0x3], $0x20, $0x38;
	[tilespmem:$0xA900] =	vst v63  }
0x71: {  	s30 =	sadd.s32 $0x5950, s19;
	s31 =	sadd.s32 $0x20, s20  }
0x72: {  	[hbm4b:s31+s3] =	stream.linear.scatter [tilespmem:s30], [sflag:$0x3], $0x20, $0x38;
	[tilespmem:$0xA900] =	vst v63  }
0x73: {  	s23 =	sadd.s32 $0x5978, s19;
	s24 =	sadd.s32 $0x30, s20  }
0x74: {  	[hbm4b:s24+s3] =	stream.linear.scatter [tilespmem:s23], [sflag:$0x3], $0x20, $0x38;
	[tilespmem:$0xA900] =	vst v63  }
0x75: {  	s25 =	sadd.s32 $0x59A0, s19;
	s26 =	sadd.s32 $0x40, s20  }
0x76: {  	[hbm4b:s26+s3] =	stream.linear.scatter [tilespmem:s25], [sflag:$0x3], $0x20, $0x38;
	[tilespmem:$0xA900] =	vst v63  }
0x77: {  	s28 =	sadd.s32 $0x59C8, s19;
	s29 =	sadd.s32 $0x50, s20  }
0x78: {  	[hbm4b:s29+s3] =	stream.linear.scatter [tilespmem:s28], [sflag:$0x3], $0x20, $0x38;
	[tilespmem:$0xA900] =	vst v63  }
0x79: {  	s30 =	sadd.s32 $0x59F0, s19;
	s31 =	sadd.s32 $0x60, s20  }
0x7a: {  	[hbm4b:s31+s3] =	stream.linear.scatter [tilespmem:s30], [sflag:$0x3], $0x20, $0x38;
	[tilespmem:$0xA900] =	vst v63  }
0x7b: {  	s22 =	sadd.s32 $0x70, s20;
	s21 =	sadd.s32 $0x5A18, s19  }
0x7c: {  	[hbm4b:s22+s3] =	stream.linear.scatter [tilespmem:s21], [sflag:$0x3], $0x20, $0x38;
	[tilespmem:$0xA900] =	vst v63  }
0x7d: {  	_ =	swait.ge [sflag:s9], $0x2000  }
0x7e: {  	[sflag:s9] =	ssyncset.done $0x0  }
0x7f: {  	[sflag:s9] =	ssyncadd.s32 $0xFFFFE000  }
0x80: {  	s23 =	simm.s32 $0x3;
	_ =	swait.ge [sflag:s14], $0x2000  }
0x81: {  	v4 =	vmov s23;
	[sflag:s14] =	ssyncset.done $0x0  }
0x82: {  	s24 =	simm.s32 $0x39F0;
	v4 =	vand.u32 $0x1F, v4;
	s25 =	simm.s32 $0x0;
	[sflag:s14] =	ssyncadd.s32 $0xFFFFE000  }
0x83: {  	v6 =	vadd.s32 v0, v4;
	v9 =	vmov s25;
	v5 =	vld [tilespmem:s24+$0xFFFFFFD0]  }
0x84: {  	s26 =	simm.s32 $0x0;
	v8 =	vadd.s32 v1, v4;
	v9 =	vand.u32 $0x1C, v9;
	v7 =	vld [tilespmem:s24+$0xFFFFFFE0]  }
0x85: {  	s28 =	smul.u32 $0x2800, s26;
	v14 =	vadd.s32 v0, v9;
	v13 =	vld [tilespmem:s24+$0xFFFFFF10]  }
0x86: {  	v11 =	vadd.s32 v2, v4;
	v10 =	vld [tilespmem:s24+$0xFFFFFFF0]  }
0x87: {  	v4 =	vadd.s32 v3, v4;
	s19 =	sshra.s32 s28, $0x2;
	v12 =	vld [tilespmem:s24+$0x0]  }
0x88: {  	s29 =	simm.s32 $0x1;
	v16 =	vadd.s32 v1, v9;
	v15 =	vld [tilespmem:s24+$0xFFFFFF20];
	[tilespmem:v6+s19+$0x8100] =	vst.idx.msk $0xffff, v5  }
0x89: {  	v17 =	vmov s29;
	v5 =	vld [tilespmem:s24+$0xFFFFFF30];
	v6 =	vadd.s32 v2, v9;
	[tilespmem:v8+s19+$0x8100] =	vst.idx.msk $0xffff, v7  }
0x8a: {  	v7 =	vld [tilespmem:s24+$0xFFFFFF40];
	v8 =	vadd.s32 v3, v9;
	v9 =	vand.u32 $0x1D, v17;
	[tilespmem:v14+s19+$0x8100] =	vst.idx.msk $0xffff, v13  }
0x8b: {  	[tilespmem:v11+s19+$0x8100] =	vst.idx.msk $0xffff, v10;
	v10 =	vld [tilespmem:s24+$0xFFFFFF50];
	v11 =	vadd.s32 v0, v9  }
0x8c: {  	s30 =	simm.s32 $0x2;
	v13 =	vadd.s32 v1, v9;
	[tilespmem:v4+s19+$0x8100] =	vst.idx.msk $0xffff, v12;
	v12 =	vld [tilespmem:s24+$0xFFFFFF60]  }
0x8d: {  	[tilespmem:v16+s19+$0x8100] =	vst.idx.msk $0xffff, v15;
	v15 =	vld [tilespmem:s24+$0xFFFFFF70];
	v62 =	vadd.s32 v2, v9;
	v4 =	vmov s30  }
0x8e: {  	v63 =	vld [tilespmem:s24+$0xFFFFFF80];
	v18 =	vadd.s32 v3, v9;
	[tilespmem:v6+s19+$0x8100] =	vst.idx.msk $0xffff, v5;
	v6 =	vand.u32 $0x1E, v4  }
0x8f: {  	[tilespmem:v8+s19+$0x8100] =	vst.idx.msk $0xffff, v7;
	v7 =	vld [tilespmem:s24+$0xFFFFFF90];
	v14 =	vadd.s32 v0, v6  }
0x90: {  	s31 =	simm.s32 $0x7;
	v4 =	vld [tilespmem:s24+$0xFFFFFFA0];
	[tilespmem:v11+s19+$0x8100] =	vst.idx.msk $0xffff, v10;
	v11 =	vadd.s32 v1, v6  }
0x91: {  	v5 =	vld [tilespmem:s24+$0xFFFFFFB0];
	v8 =	vmov s31;
	v10 =	vadd.s32 v2, v6;
	[tilespmem:v13+s19+$0x8100] =	vst.idx.msk $0xffff, v12  }
0x92: {  	s20 =	simm.s32 $0x3AF0;
	v13 =	vand.u32 $0x1F, v8;
	v8 =	vld [tilespmem:s24+$0xFFFFFFC0];
	v12 =	vadd.s32 v3, v6;
	[tilespmem:v62+s19+$0x8100] =	vst.idx.msk $0xffff, v15  }
0x93: {  	s21 =	simm.s32 $0x4;
	s22 =	simm.s32 $0x8;
	v6 =	vld [tilespmem:s20+$0xFFFFFFD0];
	v9 =	vadd.s32 v0, v13;
	[tilespmem:v18+s19+$0x8100] =	vst.idx.msk $0xffff, v63  }
.LBB2_7:
0x94: {  	p1 =	slt.u32 s22, $0x7C;
	s23 =	sshrl.u32 s21, $0x5;
	v15 =	vld [tilespmem:s20+$0xFFFFFFE0];
	v16 =	vadd.s32 v1, v13;
	[tilespmem:v14+s19+$0x8100] =	vst.idx.msk $0xffff, v7  }
0x95: {  	v7 =	vmov s21;
	v17 =	vadd.s32 v2, v13;
	s23 =	smul.u32 $0x2800, s23;
	v14 =	vld [tilespmem:s20+$0xFFFFFFF0];
	[tilespmem:v11+s19+$0x8100] =	vst.idx.msk $0xffff, v4  }
0x96: {  	v4 =	vand.u32 $0x1C, v7;
	v11 =	vadd.s32 v3, v13;
	v7 =	vld [tilespmem:s20+$0x0];
	[tilespmem:v10+s19+$0x8100] =	vst.idx.msk $0xffff, v5  }
0x97: {  	v10 =	vadd.s32 v0, v4;
	v5 =	vld [tilespmem:s20+$0xFFFFFF10];
	[tilespmem:v12+s19+$0x8100] =	vst.idx.msk $0xffff, v8;
	s19 =	sshra.s32 s23, $0x2  }
0x98: {  	v12 =	vadd.s32 v1, v4;
	s23 =	sadd.s32 $0x1, s21;
	v8 =	vld [tilespmem:s20+$0xFFFFFF20];
	[tilespmem:v9+s19+$0x8100] =	vst.idx.msk $0xffff, v6  }
0x99: {  	v9 =	vadd.s32 v2, v4;
	v13 =	vmov s23;
	v6 =	vld [tilespmem:s20+$0xFFFFFF30];
	[tilespmem:v16+s19+$0x8100] =	vst.idx.msk $0xffff, v15  }
0x9a: {  	v4 =	vadd.s32 v3, v4;
	v13 =	vand.u32 $0x1D, v13;
	v15 =	vld [tilespmem:s20+$0xFFFFFF40];
	[tilespmem:v17+s19+$0x8100] =	vst.idx.msk $0xffff, v14  }
0x9b: {  	v17 =	vadd.s32 v0, v13;
	v16 =	vld [tilespmem:s20+$0xFFFFFF50];
	[tilespmem:v11+s19+$0x8100] =	vst.idx.msk $0xffff, v7  }
0x9c: {  	s23 =	sadd.s32 $0x2, s21;
	s21 =	smov.u32 s22;
	[tilespmem:v10+s19+$0x8100] =	vst.idx.msk $0xffff, v5;
	v5 =	vld [tilespmem:s20+$0xFFFFFF60];
	v10 =	vadd.s32 v1, v13  }
0x9d: {  	v7 =	vmov s23;
	[tilespmem:v12+s19+$0x8100] =	vst.idx.msk $0xffff, v8;
	v8 =	vld [tilespmem:s20+$0xFFFFFF70];
	v12 =	vadd.s32 v2, v13  }
0x9e: {  	v19 =	vadd.s32 v3, v13;
	[tilespmem:v9+s19+$0x8100] =	vst.idx.msk $0xffff, v6;
	v18 =	vld [tilespmem:s20+$0xFFFFFF80];
	v6 =	vand.u32 $0x1E, v7  }
.Ltmp2:
0x9f: {  	[tilespmem:v4+s19+$0x8100] =	vst.idx.msk $0xffff, v15;
	v7 =	vld [tilespmem:s20+$0xFFFFFF90];
	v14 =	vadd.s32 v0, v6;
	(pc) =	sbr.rel @p1 .LBB2_7-.Ltmp2, $4  }
0xa0: {  	s23 =	sadd.s32 $0x3, s22;
	v11 =	vadd.s32 v1, v6;
	[tilespmem:v17+s19+$0x8100] =	vst.idx.msk $0xffff, v16;
	v4 =	vld [tilespmem:s20+$0xFFFFFFA0]  }
0xa1: {  	v9 =	vmov s23;
	[tilespmem:v10+s19+$0x8100] =	vst.idx.msk $0xffff, v5;
	v5 =	vld [tilespmem:s20+$0xFFFFFFB0];
	v10 =	vadd.s32 v2, v6  }
0xa2: {  	v13 =	vand.u32 $0x1F, v9;
	[tilespmem:v12+s19+$0x8100] =	vst.idx.msk $0xffff, v8;
	v8 =	vld [tilespmem:s20+$0xFFFFFFC0];
	v12 =	vadd.s32 v3, v6;
	s20 =	sadd.s32 $0x100, s20  }
0xa3: {  	s22 =	sadd.s32 $0x4, s22;
	v9 =	vadd.s32 v0, v13;
	v6 =	vld [tilespmem:s20+$0xFFFFFFD0];
	[tilespmem:v19+s19+$0x8100] =	vst.idx.msk $0xffff, v18  }
0xa4: {  	_ =	sdelay $0x3  }
0xa5: {  	s22 =	sshrl.u32 s21, $0x5;
	v15 =	vld [tilespmem:s20+$0xFFFFFFE0];
	v16 =	vadd.s32 v1, v13;
	[tilespmem:v14+s19+$0x8100] =	vst.idx.msk $0xffff, v7  }
0xa6: {  	v39 =	vmov s21;
	v40 =	vld [tilespmem:s20+$0xFFFFFFF0];
	v17 =	vadd.s32 v2, v13;
	s22 =	smul.u32 $0x2800, s22;
	[tilespmem:v11+s19+$0x8100] =	vst.idx.msk $0xffff, v4  }
0xa7: {  	v41 =	vld [tilespmem:s20+$0x0];
	v42 =	vadd.s32 v3, v13;
	v4 =	vand.u32 $0x1C, v39;
	[tilespmem:v10+s19+$0x8100] =	vst.idx.msk $0xffff, v5  }
0xa8: {  	v5 =	vld [tilespmem:s20+$0xFFFFFF10];
	v43 =	vadd.s32 v0, v4;
	s22 =	sshra.s32 s22, $0x2;
	[tilespmem:v12+s19+$0x8100] =	vst.idx.msk $0xffff, v8  }
0xa9: {  	v44 =	vld [tilespmem:s20+$0xFFFFFF20];
	s29 =	sadd.s32 $0x1, s21;
	v45 =	vadd.s32 v1, v4;
	[tilespmem:v9+s22+$0x8100] =	vst.idx.msk $0xffff, v6  }
0xaa: {  	v46 =	vld [tilespmem:s20+$0xFFFFFF30];
	v48 =	vmov s29;
	v47 =	vadd.s32 v2, v4;
	[tilespmem:v16+s22+$0x8100] =	vst.idx.msk $0xffff, v15  }
0xab: {  	v49 =	vld [tilespmem:s20+$0xFFFFFF40];
	v4 =	vadd.s32 v3, v4;
	v13 =	vand.u32 $0x1D, v48;
	[tilespmem:v17+s22+$0x8100] =	vst.idx.msk $0xffff, v40  }
0xac: {  	v50 =	vld [tilespmem:s20+$0xFFFFFF50];
	v51 =	vadd.s32 v0, v13;
	[tilespmem:v42+s22+$0x8100] =	vst.idx.msk $0xffff, v41  }
0xad: {  	s30 =	sadd.s32 $0x2, s21;
	v52 =	vadd.s32 v1, v13;
	[tilespmem:v43+s22+$0x8100] =	vst.idx.msk $0xffff, v5;
	v5 =	vld [tilespmem:s20+$0xFFFFFF60]  }
0xae: {  	v53 =	vld [tilespmem:s20+$0xFFFFFF70];
	v55 =	vmov s30;
	v54 =	vadd.s32 v2, v13;
	[tilespmem:v45+s22+$0x8100] =	vst.idx.msk $0xffff, v44  }
0xaf: {  	v56 =	vld [tilespmem:s20+$0xFFFFFF80];
	v11 =	vand.u32 $0x1E, v55;
	v57 =	vadd.s32 v3, v13;
	[tilespmem:v47+s22+$0x8100] =	vst.idx.msk $0xffff, v46  }
0xb0: {  	v58 =	vadd.s32 v0, v11;
	[tilespmem:v4+s22+$0x8100] =	vst.idx.msk $0xffff, v49;
	v4 =	vld [tilespmem:s20+$0xFFFFFF90]  }
0xb1: {  	v59 =	vld [tilespmem:s20+$0xFFFFFFA0];
	v60 =	vadd.s32 v1, v11;
	[tilespmem:v51+s22+$0x8100] =	vst.idx.msk $0xffff, v50  }
0xb2: {  	v61 =	vadd.s32 v2, v11;
	[tilespmem:v52+s22+$0x8100] =	vst.idx.msk $0xffff, v5;
	v5 =	vld [tilespmem:s20+$0xFFFFFFB0]  }
0xb3: {  	v62 =	vld [tilespmem:s20+$0xFFFFFFC0];
	v63 =	vadd.s32 v3, v11;
	[tilespmem:v54+s22+$0x8100] =	vst.idx.msk $0xffff, v53  }
0xb4: {  	[tilespmem:v57+s22+$0x8100] =	vst.idx.msk $0xffff, v56  }
0xb5: {  	[tilespmem:v58+s22+$0x8100] =	vst.idx.msk $0xffff, v4  }
0xb6: {  	[tilespmem:v60+s22+$0x8100] =	vst.idx.msk $0xffff, v59  }
0xb7: {  	[tilespmem:v61+s22+$0x8100] =	vst.idx.msk $0xffff, v5  }
0xb8: {  	s17 =	sadd.s32 @!p0 $0x180, s17;
	s19 =	simm.s32 @!p0 $0x80;
	s20 =	simm.s32 @!p0 $0x3900;
	[tilespmem:v63+s22+$0x8100] =	vst.idx.msk $0xffff, v62  }
0xb9: {  	[tilespmem:s20], [sflag:$0x2] =	stream.indirect.gather @!p0 [hbm4b:s4+s19], $0x40, s17, s19, $0xb8;
	[tilespmem:$0xA900] =	vst v63  }
0xba: {  	s18 =	sadd.s32 s18, s7;
	s31 =	simm.s32 $0x8100  }
0xbb: {  	[hbm4b:s18+s3] =	stream.linear.scatter [tilespmem:s31], [sflag:$0x3], $0x20, $0x38;
	[tilespmem:$0xA900] =	vst v63  }
0xbc: {  	s19 =	simm.s32 $0x8128;
	s20 =	sadd.s32 $0x10, s18  }
0xbd: {  	[hbm4b:s20+s3] =	stream.linear.scatter [tilespmem:s19], [sflag:$0x3], $0x20, $0x38;
	[tilespmem:$0xA900] =	vst v63  }
0xbe: {  	s21 =	simm.s32 $0x8150;
	s23 =	simm.s32 $0x8178;
	s22 =	sadd.s32 $0x20, s18  }
0xbf: {  	[hbm4b:s22+s3] =	stream.linear.scatter [tilespmem:s21], [sflag:$0x3], $0x20, $0x38;
	[tilespmem:$0xA900] =	vst v63  }
0xc0: {  	s25 =	simm.s32 $0x81A0;
	s28 =	simm.s32 $0x81C8;
	s24 =	sadd.s32 $0x30, s18  }
0xc1: {  	[hbm4b:s24+s3] =	stream.linear.scatter [tilespmem:s23], [sflag:$0x3], $0x20, $0x38;
	[tilespmem:$0xA900] =	vst v63  }
0xc2: {  	s26 =	sadd.s32 $0x40, s18;
	s29 =	sadd.s32 $0x50, s18;
	s30 =	simm.s32 $0x81F0  }
0xc3: {  	[hbm4b:s26+s3] =	stream.linear.scatter [tilespmem:s25], [sflag:$0x3], $0x20, $0x38;
	[tilespmem:$0xA900] =	vst v63  }
0xc4: {  	s17 =	simm.s32 $0x140;
	s31 =	sadd.s32 $0x60, s18;
	s19 =	simm.s32 $0xA00  }
0xc5: {  	[hbm4b:s29+s3] =	stream.linear.scatter [tilespmem:s28], [sflag:$0x3], $0x20, $0x38;
	[tilespmem:$0xA900] =	vst v63  }
0xc6: {  	s20 =	simm.s32 $0x8218;
	s21 =	sadd.s32 $0x70, s18;
	s18 =	sadd.s32 $0x400, s18  }
0xc7: {  	[hbm4b:s31+s3] =	stream.linear.scatter [tilespmem:s30], [sflag:$0x3], $0x20, $0x38;
	[tilespmem:$0xA900] =	vst v63  }
.LBB2_9:
0xc8: {  	[hbm4b:s21+s3] =	stream.linear.scatter [tilespmem:s20], [sflag:$0x3], $0x20, $0x38;
	[tilespmem:$0xA900] =	vst v63  }
0xc9: {  	s20 =	smov.u32 s17;
	s17 =	smov.u32 s19  }
0xca: {  	s22 =	sadd.s32 $0x500, s19;
	s17 =	sshra.s32 s17, $0x2;
	s21 =	sadd.s32 $0x8100, s20  }
0xcb: {  	[hbm4b:s18+s3] =	stream.linear.scatter [tilespmem:s21], [sflag:$0x3], $0x20, $0x38;
	[tilespmem:$0xA900] =	vst v63  }
0xcc: {  	p0 =	sne.s32 s19, $0x9B00;
	s19 =	sadd.s32 $0x8128, s20;
	s21 =	sadd.s32 $0x10, s18  }
0xcd: {  	[hbm4b:s21+s3] =	stream.linear.scatter [tilespmem:s19], [sflag:$0x3], $0x20, $0x38;
	[tilespmem:$0xA900] =	vst v63  }
0xce: {  	s19 =	sadd.s32 $0x8150, s20;
	s21 =	sadd.s32 $0x20, s18  }
0xcf: {  	[hbm4b:s21+s3] =	stream.linear.scatter [tilespmem:s19], [sflag:$0x3], $0x20, $0x38;
	[tilespmem:$0xA900] =	vst v63  }
0xd0: {  	s19 =	sadd.s32 $0x8178, s20;
	s21 =	sadd.s32 $0x30, s18  }
0xd1: {  	[hbm4b:s21+s3] =	stream.linear.scatter [tilespmem:s19], [sflag:$0x3], $0x20, $0x38;
	[tilespmem:$0xA900] =	vst v63  }
0xd2: {  	s19 =	sadd.s32 $0x81A0, s20;
	s21 =	sadd.s32 $0x40, s18  }
0xd3: {  	[hbm4b:s21+s3] =	stream.linear.scatter [tilespmem:s19], [sflag:$0x3], $0x20, $0x38;
	[tilespmem:$0xA900] =	vst v63  }
.Ltmp3:
0xd4: {  	s19 =	sadd.s32 $0x81C8, s20;
	s21 =	sadd.s32 $0x50, s18;
	(pc) =	sbr.rel @p0 .LBB2_9-.Ltmp3, $4  }
0xd5: {  	[hbm4b:s21+s3] =	stream.linear.scatter [tilespmem:s19], [sflag:$0x3], $0x20, $0x38;
	[tilespmem:$0xA900] =	vst v63  }
0xd6: {  	s19 =	sadd.s32 $0x81F0, s20;
	s21 =	sadd.s32 $0x60, s18;
	s20 =	sadd.s32 $0x8218, s20  }
0xd7: {  	[hbm4b:s21+s3] =	stream.linear.scatter [tilespmem:s19], [sflag:$0x3], $0x20, $0x38;
	[tilespmem:$0xA900] =	vst v63  }
0xd8: {  	s21 =	sadd.s32 $0x70, s18;
	s18 =	sadd.s32 $0x400, s18;
	s19 =	smov.u32 s22  }
0xd9: {  	[hbm4b:s21+s3] =	stream.linear.scatter [tilespmem:s20], [sflag:$0x3], $0x20, $0x38;
	[tilespmem:$0xA900] =	vst v63  }
0xda: {  	s19 =	sadd.s32 $0x8100, s17  }
0xdb: {  	[hbm4b:s18+s3] =	stream.linear.scatter [tilespmem:s19], [sflag:$0x3], $0x20, $0x38;
	[tilespmem:$0xA900] =	vst v63  }
0xdc: {  	s28 =	sadd.s32 $0x8128, s17;
	s29 =	sadd.s32 $0x10, s18  }
0xdd: {  	[hbm4b:s29+s3] =	stream.linear.scatter [tilespmem:s28], [sflag:$0x3], $0x20, $0x38;
	[tilespmem:$0xA900] =	vst v63  }
0xde: {  	s30 =	sadd.s32 $0x8150, s17;
	s31 =	sadd.s32 $0x20, s18  }
0xdf: {  	[hbm4b:s31+s3] =	stream.linear.scatter [tilespmem:s30], [sflag:$0x3], $0x20, $0x38;
	[tilespmem:$0xA900] =	vst v63  }
0xe0: {  	s21 =	sadd.s32 $0x8178, s17;
	s22 =	sadd.s32 $0x30, s18  }
0xe1: {  	[hbm4b:s22+s3] =	stream.linear.scatter [tilespmem:s21], [sflag:$0x3], $0x20, $0x38;
	[tilespmem:$0xA900] =	vst v63  }
0xe2: {  	s23 =	sadd.s32 $0x81A0, s17;
	s24 =	sadd.s32 $0x40, s18  }
0xe3: {  	[hbm4b:s24+s3] =	stream.linear.scatter [tilespmem:s23], [sflag:$0x3], $0x20, $0x38;
	[tilespmem:$0xA900] =	vst v63  }
0xe4: {  	s25 =	sadd.s32 $0x81C8, s17;
	s26 =	sadd.s32 $0x50, s18;
	s16 =	sadd.s32 $0x1, s16  }
0xe5: {  	[hbm4b:s26+s3] =	stream.linear.scatter [tilespmem:s25], [sflag:$0x3], $0x20, $0x38;
	[tilespmem:$0xA900] =	vst v63  }
0xe6: {  	p0 =	sne.s32 s16, $0x19;
	s28 =	sadd.s32 $0x81F0, s17;
	s29 =	sadd.s32 $0x60, s18  }
0xe7: {  	[hbm4b:s29+s3] =	stream.linear.scatter [tilespmem:s28], [sflag:$0x3], $0x20, $0x38;
	[tilespmem:$0xA900] =	vst v63  }
.Ltmp4:
0xe8: {  	s30 =	sadd.s32 $0x8218, s17;
	s31 =	sadd.s32 $0x70, s18;
	(pc) =	sbr.rel @p0 .LBB2_2-.Ltmp4, $4  }
0xe9: {  	[hbm4b:s31+s3] =	stream.linear.scatter [tilespmem:s30], [sflag:$0x3], $0x20, $0x38;
	[tilespmem:$0xA900] =	vst v63  }
0xea: {  	_ =	swait.ge [sflag:s9], $0x2000  }
0xeb: {  	[sflag:s9] =	ssyncset.done $0x0  }
0xec: {  	[sflag:s9] =	ssyncadd.s32 $0xFFFFE000  }
0xed: {  	s15 =	sadd.s32 $0x1, s15  }
0xee: {  	p0 =	sne.s32 s15, s8  }
.Ltmp5:
0xef: {  	_ = 	snop;
	(pc) =	sbr.rel @p0 .LBB2_1-.Ltmp5, $1  }
0xf0: {  	_ =	sdelay $0x3  }
0xf1: {  	_ =	sfence.sel $0x180000  }
0xf2: {  	[bflag:$0x0] =	sbarrier.arrive $0xFFFF  }
0xf3: {  	p0 =	sne.s32 s0, $0x0;
	_ =	strace $0x90000047  }
0xf4: {  	s0 =	sadd.s32 @!p0 $0x100000, s1;
	[bflag:$0x2] =	sbarrier.arrive $0xFFFF  }
0xf5: {  	[sflag:s0] =	ssyncadd.tile.s32 @!p0 $0x1;
	_ =	shalt  }
.Lfunc_end2:
_tile_overlayer_lowered:
.L_overlay_start_2:
0xf6: {  	(tag) =	ssettag $0x2  }
0xf7: {  	s0 =	rddreg [dreg:$0x0];
	s2 =	stileid.u32  }
0xf8: {  	s1 =	rddreg [dreg:$0x1];
	p0 =	sne.s32 s2, $0x0  }
0xf9: {  	s3 =	rddreg [dreg:$0x2];
	[bflag:$0x3] =	sbarrier.arrive $0xFFFF;
	s2 =	simm.s32 @!p0 $0x1C03  }
0xfa: {  	[timem:s3], [sflag:s2] =	dma.local @!p0 [hbm:s0], s1  }
0xfb: {  	s0 =	simm.s32 @!p0 $0x3  }
0xfc: {  	_ =	swait.ge @!p0 [sflag:s0], s1  }
0xfd: {  	s1 =	ssub.s32 @!p0 $0x0, s1;
	[sflag:s0] =	ssyncset.done @!p0 $0x0  }
0xfe: {  	[sflag:s0] =	ssyncadd.s32 @!p0 s1  }
0xff: {  	[bflag:$0x3] =	sbarrier.arrive $0xFFFF  }
0x100: {  	_ =	shalt  }

</sc_bundles>
